<compile_context>
chip_gen: v7x
topology: tpu7x:2x2x1
jax: 0.10.2.dev20260603
libtpu: 0.0.44.dev20260713+nightly
codegen_flags: <defaults>
</compile_context>

<pallas_src>
import functools

import jax
import jax.numpy as jnp
from jax import lax
from jax.experimental import pallas as pl
from jax.experimental.pallas import tpu as pltpu
from jax.experimental.pallas import tpu_sc as plsc

BATCH_SIZE = 16384
LANES = 16
NUM_SUBCORES = 16
B_PER_W = BATCH_SIZE // NUM_SUBCORES
G_CHUNK = 128
N_G = B_PER_W // G_CHUNK
N_V = B_PER_W // LANES


def _body(belief_hbm, gt_hbm, idx_hbm, table_hbm, cb_hbm, loss_hbm,
          idx_v, lg_v, b_v, gt_v, cb_v, acc_v, red_v, shared,
          sem, sem_in):
    sid = lax.axis_index("s")
    base = sid * B_PER_W

    pltpu.sync_copy(idx_hbm.at[sid], idx_v)
    copies = []
    for j in range(N_G):
        copies.append(
            pltpu.async_copy(
                table_hbm.at[idx_v.at[j]],
                lg_v.at[pl.ds(j * G_CHUNK, G_CHUNK)],
                sem,
            )
        )
    cp_b = pltpu.async_copy(belief_hbm.at[pl.ds(base, B_PER_W)], b_v, sem_in)
    cp_t = pltpu.async_copy(gt_hbm.at[pl.ds(base, B_PER_W)], gt_v, sem_in)
    cp_b.wait()
    cp_t.wait()
    for c in copies:
        c.wait()

    def step(i, a):
        for u in range(2):
            sl = pl.ds(i * (2 * LANES) + u * LANES, LANES)
            g = lg_v[sl]
            b = b_v[sl]
            t = gt_v[sl]
            cal = 2.0 / (1.0 + jnp.exp(-g))
            cb = jnp.clip(b * cal, 0.0, 1.0)
            cb_v[sl] = cb
            a = a + (cb * (1.0 - 1.5 * t) + 0.5 * t
                     + 0.1 * jnp.abs(cal - 1.0))
        return a

    acc = lax.fori_loop(0, N_V // 2, step, jnp.zeros((LANES,), jnp.float32))

    acc_v[...] = acc
    pltpu.sync_copy(acc_v, shared.at[pl.ds(sid * LANES, LANES)])
    cp_cb = pltpu.async_copy(cb_v, cb_hbm.at[pl.ds(base, B_PER_W)], sem_in)
    plsc.subcore_barrier()

    @pl.when(sid == 0)
    def _reduce():
        pltpu.sync_copy(shared, red_v)
        tot = red_v[pl.ds(0, LANES)]
        for i in range(1, NUM_SUBCORES):
            tot = tot + red_v[pl.ds(i * LANES, LANES)]
        s = tot[0]
        for i in range(1, LANES):
            s = s + tot[i]
        acc_v[...] = jnp.full((LANES,), s * (1.0 / BATCH_SIZE), jnp.float32)
        pltpu.sync_copy(acc_v, loss_hbm)

    cp_cb.wait()


@functools.partial(
    pl.kernel,
    out_type=(
        jax.ShapeDtypeStruct((BATCH_SIZE,), jnp.float32),
        jax.ShapeDtypeStruct((LANES,), jnp.float32),
    ),
    mesh=plsc.VectorSubcoreMesh(core_axis_name="c", subcore_axis_name="s",
                                num_cores=1),
    scratch_types=[
        pltpu.VMEM((N_G, G_CHUNK), jnp.int32),
        pltpu.VMEM((B_PER_W,), jnp.float32),
        pltpu.VMEM((B_PER_W,), jnp.float32),
        pltpu.VMEM((B_PER_W,), jnp.float32),
        pltpu.VMEM((B_PER_W,), jnp.float32),
        pltpu.VMEM((LANES,), jnp.float32),
        pltpu.VMEM((NUM_SUBCORES * LANES,), jnp.float32),
        pltpu.VMEM_SHARED((NUM_SUBCORES * LANES,), jnp.float32),
        pltpu.SemaphoreType.DMA,
        pltpu.SemaphoreType.DMA,
    ],
)
def _doxastic_sc(belief_hbm, gt_hbm, idx_hbm, table_hbm, cb_hbm, loss_hbm,
                 idx_v, lg_v, b_v, gt_v, cb_v, acc_v, red_v, shared,
                 sem, sem_in):
    _body(belief_hbm, gt_hbm, idx_hbm, table_hbm, cb_hbm, loss_hbm,
          idx_v, lg_v, b_v, gt_v, cb_v, acc_v, red_v, shared,
          sem, sem_in)


def kernel(belief_strength, ground_truth, agent_ids, calibration_logits):
    idx = agent_ids.astype(jnp.int32).reshape(NUM_SUBCORES, N_G, G_CHUNK)
    cb, loss = _doxastic_sc(belief_strength, ground_truth, idx,
                            calibration_logits)
    return (loss[0], cb)

# --- scband reference (transcript-rebuilt; emitter-appended) ---
"""Pipeline reference for scband-doxastic-mlnn-30511447670803 (READ-ONLY COPY).

The authoritative reference and input builder live on the scoring server;
editing this copy changes nothing except your own understanding.
"""

import jax, jax.numpy as jnp
import numpy as np

NUM_AGENTS = 1000000
BATCH = 16384

# Fuzzy-logic connectives (product t-norm semantics, standard for differentiable logic):
#   negation(x)      = 1 - x
#   conjunction(x,y) = x * y

def setup_inputs(seed: int = 0) -> dict:
    key = jax.random.key(seed)
    k1, k2, k3, k4 = jax.random.split(key, 4)
    belief_strength = jax.random.uniform(k1, (BATCH,), dtype=jnp.float32)
    ground_truth = jax.random.randint(k2, (BATCH,), 0, 2).astype(jnp.float32)
    agent_ids = jax.random.randint(k3, (BATCH,), 0, NUM_AGENTS)
    calibration_logits = jax.random.normal(k4, (NUM_AGENTS,), dtype=jnp.float32) * 0.1
    return {
        "belief_strength": belief_strength,
        "ground_truth": ground_truth,
        "agent_ids": agent_ids,
        "calibration_logits": calibration_logits,
    }


def reference(belief_strength, ground_truth, agent_ids, calibration_logits):
    # per-agent calibration: sigmoid(logits) * 2.0, gathered by agent id
    cal_full = jax.nn.sigmoid(calibration_logits) * 2.0
    cal = jnp.take(cal_full, agent_ids, axis=0)
    calibrated_belief = jnp.clip(belief_strength * cal, 0.0, 1.0)
    reality_gap = 1.0 - ground_truth                      # F.negation
    hallucination_loss = calibrated_belief * reality_gap  # F.conjunction
    correct_confidence_loss = (1.0 - calibrated_belief) * ground_truth
    cal_reg = jnp.abs(cal - 1.0).mean()
    loss = hallucination_loss.mean() + 0.5 * correct_confidence_loss.mean() + 0.1 * cal_reg
    return (loss, calibrated_belief)

if __name__ == "__main__":
    import jax
    _d = setup_inputs()
    print(jax.jit(kernel)(*tuple(_d.values())))

</pallas_src>

<mosaic_0001>
#map = affine_map<(d0, d1) -> (0)>
#map1 = affine_map<(d0, d1) -> (0, 0, 0)>
module attributes {stable_mosaic.version = 14 : i64} {
  func.func @_doxastic_sc(%arg0: i32, %arg1: i32, %arg2: memref<16384xf32, #tpu.memory_space<hbm>>, %arg3: memref<16384xf32, #tpu.memory_space<hbm>>, %arg4: memref<16x8x128xi32, #tpu.memory_space<hbm>>, %arg5: memref<1000000xf32, #tpu.memory_space<hbm>>, %arg6: memref<16384xf32, #tpu.memory_space<hbm>>, %arg7: memref<16xf32, #tpu.memory_space<hbm>>, %arg8: memref<8x128xi32, #tpu.memory_space<vmem>>, %arg9: memref<1024xf32, #tpu.memory_space<vmem>>, %arg10: memref<1024xf32, #tpu.memory_space<vmem>>, %arg11: memref<1024xf32, #tpu.memory_space<vmem>>, %arg12: memref<1024xf32, #tpu.memory_space<vmem>>, %arg13: memref<16xf32, #tpu.memory_space<vmem>>, %arg14: memref<256xf32, #tpu.memory_space<vmem>>, %arg15: memref<256xf32, #tpu.memory_space<vmem_shared>>, %arg16: memref<!tpu.dma_semaphore, #tpu.memory_space<semaphore_mem>>, %arg17: memref<!tpu.dma_semaphore, #tpu.memory_space<semaphore_mem>>) attributes {dimension_semantics = [#tpu.dimension_semantics<core_parallel>, #tpu.dimension_semantics<subcore_parallel>], iteration_bounds = array<i64: 1, 16>, scalar_prefetch = 0 : i64, scratch_operands = 10 : i64, tpu.core_type = #tpu.core_type<sc_vector_subcore>, window_params = [{transform_indices = #map}, {transform_indices = #map}, {transform_indices = #map1}, {transform_indices = #map}, {transform_indices = #map}, {transform_indices = #map}]} {
    %mul3A = arith.constant 1024 : i32
    %mul3A_0 = arith.muli %arg1, %mul3A : i32
    "tpu.region"() ({
      %run_scoped3A = tpu.sem_alloc : memref<!tpu.dma_semaphore, #tpu.memory_space<semaphore_mem>>
      %dma_start3A_152 = arith.constant 0 : i32
      %dma_start3A_153 = arith.constant 0 : i32
      %dma_start3A_154 = tpu.memref_slice %arg4[%arg1, %dma_start3A_152, %dma_start3A_153] : memref<16x8x128xi32, #tpu.memory_space<hbm>> -> memref<1x8x128xi32, #tpu.memory_space<hbm>>
      %dma_start3A_155 = tpu.memref_squeeze %dma_start3A_154 : memref<1x8x128xi32, #tpu.memory_space<hbm>> -> memref<8x128xi32, #tpu.memory_space<hbm>>
      %dma_start3A_156 = arith.constant 0 : i32
      %dma_start3A_157 = arith.constant 0 : i32
      %dma_start3A_158 = tpu.memref_slice %arg4[%arg1, %dma_start3A_156, %dma_start3A_157] : memref<16x8x128xi32, #tpu.memory_space<hbm>> -> memref<1x8x128xi32, #tpu.memory_space<hbm>>
      %dma_start3A_159 = tpu.memref_squeeze %dma_start3A_158 : memref<1x8x128xi32, #tpu.memory_space<hbm>> -> memref<8x128xi32, #tpu.memory_space<hbm>>
      tpu.enqueue_dma source(%dma_start3A_159 : memref<8x128xi32, #tpu.memory_space<hbm>>) target(%arg8 : memref<8x128xi32, #tpu.memory_space<vmem>>) target_semaphore(%run_scoped3A : memref<!tpu.dma_semaphore, #tpu.memory_space<semaphore_mem>>)
      %dma_wait3A_160 = arith.constant 0 : i32
      %dma_wait3A_161 = arith.constant 0 : i32
      %dma_wait3A_162 = tpu.memref_slice %arg4[%arg1, %dma_wait3A_160, %dma_wait3A_161] : memref<16x8x128xi32, #tpu.memory_space<hbm>> -> memref<1x8x128xi32, #tpu.memory_space<hbm>>
      %dma_wait3A_163 = tpu.memref_squeeze %dma_wait3A_162 : memref<1x8x128xi32, #tpu.memory_space<hbm>> -> memref<8x128xi32, #tpu.memory_space<hbm>>
      %dma_wait3A_164 = arith.constant 0 : i32
      %dma_wait3A_165 = arith.constant 0 : i32
      %dma_wait3A_166 = tpu.memref_slice %arg4[%arg1, %dma_wait3A_164, %dma_wait3A_165] : memref<16x8x128xi32, #tpu.memory_space<hbm>> -> memref<1x8x128xi32, #tpu.memory_space<hbm>>
      %dma_wait3A_167 = tpu.memref_squeeze %dma_wait3A_166 : memref<1x8x128xi32, #tpu.memory_space<hbm>> -> memref<8x128xi32, #tpu.memory_space<hbm>>
      tpu.wait_dma2 semaphore(%run_scoped3A : memref<!tpu.dma_semaphore, #tpu.memory_space<semaphore_mem>>) src(%dma_wait3A_167 : memref<8x128xi32, #tpu.memory_space<hbm>>) dst(%arg8 : memref<8x128xi32, #tpu.memory_space<vmem>>)
      tpu.yield
    }) : () -> ()
    %dma_start3A = arith.constant 0 : i32
    %dma_start3A_1 = arith.constant 0 : i32
    %dma_start3A_2 = tpu.memref_slice %arg9[%dma_start3A_1] : memref<1024xf32, #tpu.memory_space<vmem>> -> memref<128xf32, #tpu.memory_space<vmem>>
    %dma_start3A_3 = arith.constant 0 : i32
    %dma_start3A_4 = tpu.memref_slice %arg8[%dma_start3A, %dma_start3A_3] : memref<8x128xi32, #tpu.memory_space<vmem>> -> memref<1x128xi32, #tpu.memory_space<vmem>>
    %dma_start3A_5 = tpu.memref_squeeze %dma_start3A_4 : memref<1x128xi32, #tpu.memory_space<vmem>> -> memref<128xi32, #tpu.memory_space<vmem>>
    %dma_start3A_6 = arith.constant 0 : i32
    %dma_start3A_7 = tpu.memref_slice %arg5[%dma_start3A_6] : memref<1000000xf32, #tpu.memory_space<hbm>> -> memref<1000000xf32, #tpu.memory_space<hbm>>
    tpu.enqueue_indirect_dma source(%dma_start3A_7 : memref<1000000xf32, #tpu.memory_space<hbm>>) target(%dma_start3A_2 : memref<128xf32, #tpu.memory_space<vmem>>) offsets(%dma_start3A_5 : memref<128xi32, #tpu.memory_space<vmem>>) semaphore(%arg16 : memref<!tpu.dma_semaphore, #tpu.memory_space<semaphore_mem>>)
    %dma_start3A_8 = arith.constant 1 : i32
    %dma_start3A_9 = arith.constant 128 : i32
    %dma_start3A_10 = tpu.memref_slice %arg9[%dma_start3A_9] : memref<1024xf32, #tpu.memory_space<vmem>> -> memref<128xf32, #tpu.memory_space<vmem>>
    %dma_start3A_11 = arith.constant 0 : i32
    %dma_start3A_12 = tpu.memref_slice %arg8[%dma_start3A_8, %dma_start3A_11] : memref<8x128xi32, #tpu.memory_space<vmem>> -> memref<1x128xi32, #tpu.memory_space<vmem>>
    %dma_start3A_13 = tpu.memref_squeeze %dma_start3A_12 : memref<1x128xi32, #tpu.memory_space<vmem>> -> memref<128xi32, #tpu.memory_space<vmem>>
    %dma_start3A_14 = arith.constant 0 : i32
    %dma_start3A_15 = tpu.memref_slice %arg5[%dma_start3A_14] : memref<1000000xf32, #tpu.memory_space<hbm>> -> memref<1000000xf32, #tpu.memory_space<hbm>>
    tpu.enqueue_indirect_dma source(%dma_start3A_15 : memref<1000000xf32, #tpu.memory_space<hbm>>) target(%dma_start3A_10 : memref<128xf32, #tpu.memory_space<vmem>>) offsets(%dma_start3A_13 : memref<128xi32, #tpu.memory_space<vmem>>) semaphore(%arg16 : memref<!tpu.dma_semaphore, #tpu.memory_space<semaphore_mem>>)
    %dma_start3A_16 = arith.constant 2 : i32
    %dma_start3A_17 = arith.constant 256 : i32
    %dma_start3A_18 = tpu.memref_slice %arg9[%dma_start3A_17] : memref<1024xf32, #tpu.memory_space<vmem>> -> memref<128xf32, #tpu.memory_space<vmem>>
    %dma_start3A_19 = arith.constant 0 : i32
    %dma_start3A_20 = tpu.memref_slice %arg8[%dma_start3A_16, %dma_start3A_19] : memref<8x128xi32, #tpu.memory_space<vmem>> -> memref<1x128xi32, #tpu.memory_space<vmem>>
    %dma_start3A_21 = tpu.memref_squeeze %dma_start3A_20 : memref<1x128xi32, #tpu.memory_space<vmem>> -> memref<128xi32, #tpu.memory_space<vmem>>
    %dma_start3A_22 = arith.constant 0 : i32
    %dma_start3A_23 = tpu.memref_slice %arg5[%dma_start3A_22] : memref<1000000xf32, #tpu.memory_space<hbm>> -> memref<1000000xf32, #tpu.memory_space<hbm>>
    tpu.enqueue_indirect_dma source(%dma_start3A_23 : memref<1000000xf32, #tpu.memory_space<hbm>>) target(%dma_start3A_18 : memref<128xf32, #tpu.memory_space<vmem>>) offsets(%dma_start3A_21 : memref<128xi32, #tpu.memory_space<vmem>>) semaphore(%arg16 : memref<!tpu.dma_semaphore, #tpu.memory_space<semaphore_mem>>)
    %dma_start3A_24 = arith.constant 3 : i32
    %dma_start3A_25 = arith.constant 384 : i32
    %dma_start3A_26 = tpu.memref_slice %arg9[%dma_start3A_25] : memref<1024xf32, #tpu.memory_space<vmem>> -> memref<128xf32, #tpu.memory_space<vmem>>
    %dma_start3A_27 = arith.constant 0 : i32
    %dma_start3A_28 = tpu.memref_slice %arg8[%dma_start3A_24, %dma_start3A_27] : memref<8x128xi32, #tpu.memory_space<vmem>> -> memref<1x128xi32, #tpu.memory_space<vmem>>
    %dma_start3A_29 = tpu.memref_squeeze %dma_start3A_28 : memref<1x128xi32, #tpu.memory_space<vmem>> -> memref<128xi32, #tpu.memory_space<vmem>>
    %dma_start3A_30 = arith.constant 0 : i32
    %dma_start3A_31 = tpu.memref_slice %arg5[%dma_start3A_30] : memref<1000000xf32, #tpu.memory_space<hbm>> -> memref<1000000xf32, #tpu.memory_space<hbm>>
    tpu.enqueue_indirect_dma source(%dma_start3A_31 : memref<1000000xf32, #tpu.memory_space<hbm>>) target(%dma_start3A_26 : memref<128xf32, #tpu.memory_space<vmem>>) offsets(%dma_start3A_29 : memref<128xi32, #tpu.memory_space<vmem>>) semaphore(%arg16 : memref<!tpu.dma_semaphore, #tpu.memory_space<semaphore_mem>>)
    %dma_start3A_32 = arith.constant 4 : i32
    %dma_start3A_33 = arith.constant 512 : i32
    %dma_start3A_34 = tpu.memref_slice %arg9[%dma_start3A_33] : memref<1024xf32, #tpu.memory_space<vmem>> -> memref<128xf32, #tpu.memory_space<vmem>>
    %dma_start3A_35 = arith.constant 0 : i32
    %dma_start3A_36 = tpu.memref_slice %arg8[%dma_start3A_32, %dma_start3A_35] : memref<8x128xi32, #tpu.memory_space<vmem>> -> memref<1x128xi32, #tpu.memory_space<vmem>>
    %dma_start3A_37 = tpu.memref_squeeze %dma_start3A_36 : memref<1x128xi32, #tpu.memory_space<vmem>> -> memref<128xi32, #tpu.memory_space<vmem>>
    %dma_start3A_38 = arith.constant 0 : i32
    %dma_start3A_39 = tpu.memref_slice %arg5[%dma_start3A_38] : memref<1000000xf32, #tpu.memory_space<hbm>> -> memref<1000000xf32, #tpu.memory_space<hbm>>
    tpu.enqueue_indirect_dma source(%dma_start3A_39 : memref<1000000xf32, #tpu.memory_space<hbm>>) target(%dma_start3A_34 : memref<128xf32, #tpu.memory_space<vmem>>) offsets(%dma_start3A_37 : memref<128xi32, #tpu.memory_space<vmem>>) semaphore(%arg16 : memref<!tpu.dma_semaphore, #tpu.memory_space<semaphore_mem>>)
    %dma_start3A_40 = arith.constant 5 : i32
    %dma_start3A_41 = arith.constant 640 : i32
    %dma_start3A_42 = tpu.memref_slice %arg9[%dma_start3A_41] : memref<1024xf32, #tpu.memory_space<vmem>> -> memref<128xf32, #tpu.memory_space<vmem>>
    %dma_start3A_43 = arith.constant 0 : i32
    %dma_start3A_44 = tpu.memref_slice %arg8[%dma_start3A_40, %dma_start3A_43] : memref<8x128xi32, #tpu.memory_space<vmem>> -> memref<1x128xi32, #tpu.memory_space<vmem>>
    %dma_start3A_45 = tpu.memref_squeeze %dma_start3A_44 : memref<1x128xi32, #tpu.memory_space<vmem>> -> memref<128xi32, #tpu.memory_space<vmem>>
    %dma_start3A_46 = arith.constant 0 : i32
    %dma_start3A_47 = tpu.memref_slice %arg5[%dma_start3A_46] : memref<1000000xf32, #tpu.memory_space<hbm>> -> memref<1000000xf32, #tpu.memory_space<hbm>>
    tpu.enqueue_indirect_dma source(%dma_start3A_47 : memref<1000000xf32, #tpu.memory_space<hbm>>) target(%dma_start3A_42 : memref<128xf32, #tpu.memory_space<vmem>>) offsets(%dma_start3A_45 : memref<128xi32, #tpu.memory_space<vmem>>) semaphore(%arg16 : memref<!tpu.dma_semaphore, #tpu.memory_space<semaphore_mem>>)
    %dma_start3A_48 = arith.constant 6 : i32
    %dma_start3A_49 = arith.constant 768 : i32
    %dma_start3A_50 = tpu.memref_slice %arg9[%dma_start3A_49] : memref<1024xf32, #tpu.memory_space<vmem>> -> memref<128xf32, #tpu.memory_space<vmem>>
    %dma_start3A_51 = arith.constant 0 : i32
    %dma_start3A_52 = tpu.memref_slice %arg8[%dma_start3A_48, %dma_start3A_51] : memref<8x128xi32, #tpu.memory_space<vmem>> -> memref<1x128xi32, #tpu.memory_space<vmem>>
    %dma_start3A_53 = tpu.memref_squeeze %dma_start3A_52 : memref<1x128xi32, #tpu.memory_space<vmem>> -> memref<128xi32, #tpu.memory_space<vmem>>
    %dma_start3A_54 = arith.constant 0 : i32
    %dma_start3A_55 = tpu.memref_slice %arg5[%dma_start3A_54] : memref<1000000xf32, #tpu.memory_space<hbm>> -> memref<1000000xf32, #tpu.memory_space<hbm>>
    tpu.enqueue_indirect_dma source(%dma_start3A_55 : memref<1000000xf32, #tpu.memory_space<hbm>>) target(%dma_start3A_50 : memref<128xf32, #tpu.memory_space<vmem>>) offsets(%dma_start3A_53 : memref<128xi32, #tpu.memory_space<vmem>>) semaphore(%arg16 : memref<!tpu.dma_semaphore, #tpu.memory_space<semaphore_mem>>)
    %dma_start3A_56 = arith.constant 7 : i32
    %dma_start3A_57 = arith.constant 896 : i32
    %dma_start3A_58 = tpu.memref_slice %arg9[%dma_start3A_57] : memref<1024xf32, #tpu.memory_space<vmem>> -> memref<128xf32, #tpu.memory_space<vmem>>
    %dma_start3A_59 = arith.constant 0 : i32
    %dma_start3A_60 = tpu.memref_slice %arg8[%dma_start3A_56, %dma_start3A_59] : memref<8x128xi32, #tpu.memory_space<vmem>> -> memref<1x128xi32, #tpu.memory_space<vmem>>
    %dma_start3A_61 = tpu.memref_squeeze %dma_start3A_60 : memref<1x128xi32, #tpu.memory_space<vmem>> -> memref<128xi32, #tpu.memory_space<vmem>>
    %dma_start3A_62 = arith.constant 0 : i32
    %dma_start3A_63 = tpu.memref_slice %arg5[%dma_start3A_62] : memref<1000000xf32, #tpu.memory_space<hbm>> -> memref<1000000xf32, #tpu.memory_space<hbm>>
    tpu.enqueue_indirect_dma source(%dma_start3A_63 : memref<1000000xf32, #tpu.memory_space<hbm>>) target(%dma_start3A_58 : memref<128xf32, #tpu.memory_space<vmem>>) offsets(%dma_start3A_61 : memref<128xi32, #tpu.memory_space<vmem>>) semaphore(%arg16 : memref<!tpu.dma_semaphore, #tpu.memory_space<semaphore_mem>>)
    %dma_start3A_64 = tpu.memref_slice %arg2[%mul3A_0] : memref<16384xf32, #tpu.memory_space<hbm>> -> memref<1024xf32, #tpu.memory_space<hbm>>
    %dma_start3A_65 = tpu.memref_slice %arg2[%mul3A_0] : memref<16384xf32, #tpu.memory_space<hbm>> -> memref<1024xf32, #tpu.memory_space<hbm>>
    tpu.enqueue_dma source(%dma_start3A_65 : memref<1024xf32, #tpu.memory_space<hbm>>) target(%arg10 : memref<1024xf32, #tpu.memory_space<vmem>>) target_semaphore(%arg17 : memref<!tpu.dma_semaphore, #tpu.memory_space<semaphore_mem>>)
    %dma_start3A_66 = tpu.memref_slice %arg3[%mul3A_0] : memref<16384xf32, #tpu.memory_space<hbm>> -> memref<1024xf32, #tpu.memory_space<hbm>>
    %dma_start3A_67 = tpu.memref_slice %arg3[%mul3A_0] : memref<16384xf32, #tpu.memory_space<hbm>> -> memref<1024xf32, #tpu.memory_space<hbm>>
    tpu.enqueue_dma source(%dma_start3A_67 : memref<1024xf32, #tpu.memory_space<hbm>>) target(%arg11 : memref<1024xf32, #tpu.memory_space<vmem>>) target_semaphore(%arg17 : memref<!tpu.dma_semaphore, #tpu.memory_space<semaphore_mem>>)
    %dma_wait3A = tpu.memref_slice %arg2[%mul3A_0] : memref<16384xf32, #tpu.memory_space<hbm>> -> memref<1024xf32, #tpu.memory_space<hbm>>
    %dma_wait3A_68 = tpu.memref_slice %arg2[%mul3A_0] : memref<16384xf32, #tpu.memory_space<hbm>> -> memref<1024xf32, #tpu.memory_space<hbm>>
    tpu.wait_dma2 semaphore(%arg17 : memref<!tpu.dma_semaphore, #tpu.memory_space<semaphore_mem>>) src(%dma_wait3A_68 : memref<1024xf32, #tpu.memory_space<hbm>>) dst(%arg10 : memref<1024xf32, #tpu.memory_space<vmem>>)
    %dma_wait3A_69 = tpu.memref_slice %arg3[%mul3A_0] : memref<16384xf32, #tpu.memory_space<hbm>> -> memref<1024xf32, #tpu.memory_space<hbm>>
    %dma_wait3A_70 = tpu.memref_slice %arg3[%mul3A_0] : memref<16384xf32, #tpu.memory_space<hbm>> -> memref<1024xf32, #tpu.memory_space<hbm>>
    tpu.wait_dma2 semaphore(%arg17 : memref<!tpu.dma_semaphore, #tpu.memory_space<semaphore_mem>>) src(%dma_wait3A_70 : memref<1024xf32, #tpu.memory_space<hbm>>) dst(%arg11 : memref<1024xf32, #tpu.memory_space<vmem>>)
    %dma_wait3A_71 = arith.constant 0 : i32
    %dma_wait3A_72 = arith.constant 0 : i32
    %dma_wait3A_73 = tpu.memref_slice %arg9[%dma_wait3A_72] : memref<1024xf32, #tpu.memory_space<vmem>> -> memref<128xf32, #tpu.memory_space<vmem>>
    %dma_wait3A_74 = arith.constant 0 : i32
    %dma_wait3A_75 = tpu.memref_slice %arg8[%dma_wait3A_71, %dma_wait3A_74] : memref<8x128xi32, #tpu.memory_space<vmem>> -> memref<1x128xi32, #tpu.memory_space<vmem>>
    %dma_wait3A_76 = tpu.memref_squeeze %dma_wait3A_75 : memref<1x128xi32, #tpu.memory_space<vmem>> -> memref<128xi32, #tpu.memory_space<vmem>>
    %dma_wait3A_77 = arith.constant 0 : i32
    %dma_wait3A_78 = tpu.memref_slice %arg5[%dma_wait3A_77] : memref<1000000xf32, #tpu.memory_space<hbm>> -> memref<1000000xf32, #tpu.memory_space<hbm>>
    tpu.wait_indirect_dma semaphore(%arg16 : memref<!tpu.dma_semaphore, #tpu.memory_space<semaphore_mem>>) src(%dma_wait3A_78 : memref<1000000xf32, #tpu.memory_space<hbm>>) dst(%dma_wait3A_73 : memref<128xf32, #tpu.memory_space<vmem>>)
    %dma_wait3A_79 = arith.constant 1 : i32
    %dma_wait3A_80 = arith.constant 128 : i32
    %dma_wait3A_81 = tpu.memref_slice %arg9[%dma_wait3A_80] : memref<1024xf32, #tpu.memory_space<vmem>> -> memref<128xf32, #tpu.memory_space<vmem>>
    %dma_wait3A_82 = arith.constant 0 : i32
    %dma_wait3A_83 = tpu.memref_slice %arg8[%dma_wait3A_79, %dma_wait3A_82] : memref<8x128xi32, #tpu.memory_space<vmem>> -> memref<1x128xi32, #tpu.memory_space<vmem>>
    %dma_wait3A_84 = tpu.memref_squeeze %dma_wait3A_83 : memref<1x128xi32, #tpu.memory_space<vmem>> -> memref<128xi32, #tpu.memory_space<vmem>>
    %dma_wait3A_85 = arith.constant 0 : i32
    %dma_wait3A_86 = tpu.memref_slice %arg5[%dma_wait3A_85] : memref<1000000xf32, #tpu.memory_space<hbm>> -> memref<1000000xf32, #tpu.memory_space<hbm>>
    tpu.wait_indirect_dma semaphore(%arg16 : memref<!tpu.dma_semaphore, #tpu.memory_space<semaphore_mem>>) src(%dma_wait3A_86 : memref<1000000xf32, #tpu.memory_space<hbm>>) dst(%dma_wait3A_81 : memref<128xf32, #tpu.memory_space<vmem>>)
    %dma_wait3A_87 = arith.constant 2 : i32
    %dma_wait3A_88 = arith.constant 256 : i32
    %dma_wait3A_89 = tpu.memref_slice %arg9[%dma_wait3A_88] : memref<1024xf32, #tpu.memory_space<vmem>> -> memref<128xf32, #tpu.memory_space<vmem>>
    %dma_wait3A_90 = arith.constant 0 : i32
    %dma_wait3A_91 = tpu.memref_slice %arg8[%dma_wait3A_87, %dma_wait3A_90] : memref<8x128xi32, #tpu.memory_space<vmem>> -> memref<1x128xi32, #tpu.memory_space<vmem>>
    %dma_wait3A_92 = tpu.memref_squeeze %dma_wait3A_91 : memref<1x128xi32, #tpu.memory_space<vmem>> -> memref<128xi32, #tpu.memory_space<vmem>>
    %dma_wait3A_93 = arith.constant 0 : i32
    %dma_wait3A_94 = tpu.memref_slice %arg5[%dma_wait3A_93] : memref<1000000xf32, #tpu.memory_space<hbm>> -> memref<1000000xf32, #tpu.memory_space<hbm>>
    tpu.wait_indirect_dma semaphore(%arg16 : memref<!tpu.dma_semaphore, #tpu.memory_space<semaphore_mem>>) src(%dma_wait3A_94 : memref<1000000xf32, #tpu.memory_space<hbm>>) dst(%dma_wait3A_89 : memref<128xf32, #tpu.memory_space<vmem>>)
    %dma_wait3A_95 = arith.constant 3 : i32
    %dma_wait3A_96 = arith.constant 384 : i32
    %dma_wait3A_97 = tpu.memref_slice %arg9[%dma_wait3A_96] : memref<1024xf32, #tpu.memory_space<vmem>> -> memref<128xf32, #tpu.memory_space<vmem>>
    %dma_wait3A_98 = arith.constant 0 : i32
    %dma_wait3A_99 = tpu.memref_slice %arg8[%dma_wait3A_95, %dma_wait3A_98] : memref<8x128xi32, #tpu.memory_space<vmem>> -> memref<1x128xi32, #tpu.memory_space<vmem>>
    %dma_wait3A_100 = tpu.memref_squeeze %dma_wait3A_99 : memref<1x128xi32, #tpu.memory_space<vmem>> -> memref<128xi32, #tpu.memory_space<vmem>>
    %dma_wait3A_101 = arith.constant 0 : i32
    %dma_wait3A_102 = tpu.memref_slice %arg5[%dma_wait3A_101] : memref<1000000xf32, #tpu.memory_space<hbm>> -> memref<1000000xf32, #tpu.memory_space<hbm>>
    tpu.wait_indirect_dma semaphore(%arg16 : memref<!tpu.dma_semaphore, #tpu.memory_space<semaphore_mem>>) src(%dma_wait3A_102 : memref<1000000xf32, #tpu.memory_space<hbm>>) dst(%dma_wait3A_97 : memref<128xf32, #tpu.memory_space<vmem>>)
    %dma_wait3A_103 = arith.constant 4 : i32
    %dma_wait3A_104 = arith.constant 512 : i32
    %dma_wait3A_105 = tpu.memref_slice %arg9[%dma_wait3A_104] : memref<1024xf32, #tpu.memory_space<vmem>> -> memref<128xf32, #tpu.memory_space<vmem>>
    %dma_wait3A_106 = arith.constant 0 : i32
    %dma_wait3A_107 = tpu.memref_slice %arg8[%dma_wait3A_103, %dma_wait3A_106] : memref<8x128xi32, #tpu.memory_space<vmem>> -> memref<1x128xi32, #tpu.memory_space<vmem>>
    %dma_wait3A_108 = tpu.memref_squeeze %dma_wait3A_107 : memref<1x128xi32, #tpu.memory_space<vmem>> -> memref<128xi32, #tpu.memory_space<vmem>>
    %dma_wait3A_109 = arith.constant 0 : i32
    %dma_wait3A_110 = tpu.memref_slice %arg5[%dma_wait3A_109] : memref<1000000xf32, #tpu.memory_space<hbm>> -> memref<1000000xf32, #tpu.memory_space<hbm>>
    tpu.wait_indirect_dma semaphore(%arg16 : memref<!tpu.dma_semaphore, #tpu.memory_space<semaphore_mem>>) src(%dma_wait3A_110 : memref<1000000xf32, #tpu.memory_space<hbm>>) dst(%dma_wait3A_105 : memref<128xf32, #tpu.memory_space<vmem>>)
    %dma_wait3A_111 = arith.constant 5 : i32
    %dma_wait3A_112 = arith.constant 640 : i32
    %dma_wait3A_113 = tpu.memref_slice %arg9[%dma_wait3A_112] : memref<1024xf32, #tpu.memory_space<vmem>> -> memref<128xf32, #tpu.memory_space<vmem>>
    %dma_wait3A_114 = arith.constant 0 : i32
    %dma_wait3A_115 = tpu.memref_slice %arg8[%dma_wait3A_111, %dma_wait3A_114] : memref<8x128xi32, #tpu.memory_space<vmem>> -> memref<1x128xi32, #tpu.memory_space<vmem>>
    %dma_wait3A_116 = tpu.memref_squeeze %dma_wait3A_115 : memref<1x128xi32, #tpu.memory_space<vmem>> -> memref<128xi32, #tpu.memory_space<vmem>>
    %dma_wait3A_117 = arith.constant 0 : i32
    %dma_wait3A_118 = tpu.memref_slice %arg5[%dma_wait3A_117] : memref<1000000xf32, #tpu.memory_space<hbm>> -> memref<1000000xf32, #tpu.memory_space<hbm>>
    tpu.wait_indirect_dma semaphore(%arg16 : memref<!tpu.dma_semaphore, #tpu.memory_space<semaphore_mem>>) src(%dma_wait3A_118 : memref<1000000xf32, #tpu.memory_space<hbm>>) dst(%dma_wait3A_113 : memref<128xf32, #tpu.memory_space<vmem>>)
    %dma_wait3A_119 = arith.constant 6 : i32
    %dma_wait3A_120 = arith.constant 768 : i32
    %dma_wait3A_121 = tpu.memref_slice %arg9[%dma_wait3A_120] : memref<1024xf32, #tpu.memory_space<vmem>> -> memref<128xf32, #tpu.memory_space<vmem>>
    %dma_wait3A_122 = arith.constant 0 : i32
    %dma_wait3A_123 = tpu.memref_slice %arg8[%dma_wait3A_119, %dma_wait3A_122] : memref<8x128xi32, #tpu.memory_space<vmem>> -> memref<1x128xi32, #tpu.memory_space<vmem>>
    %dma_wait3A_124 = tpu.memref_squeeze %dma_wait3A_123 : memref<1x128xi32, #tpu.memory_space<vmem>> -> memref<128xi32, #tpu.memory_space<vmem>>
    %dma_wait3A_125 = arith.constant 0 : i32
    %dma_wait3A_126 = tpu.memref_slice %arg5[%dma_wait3A_125] : memref<1000000xf32, #tpu.memory_space<hbm>> -> memref<1000000xf32, #tpu.memory_space<hbm>>
    tpu.wait_indirect_dma semaphore(%arg16 : memref<!tpu.dma_semaphore, #tpu.memory_space<semaphore_mem>>) src(%dma_wait3A_126 : memref<1000000xf32, #tpu.memory_space<hbm>>) dst(%dma_wait3A_121 : memref<128xf32, #tpu.memory_space<vmem>>)
    %dma_wait3A_127 = arith.constant 7 : i32
    %dma_wait3A_128 = arith.constant 896 : i32
    %dma_wait3A_129 = tpu.memref_slice %arg9[%dma_wait3A_128] : memref<1024xf32, #tpu.memory_space<vmem>> -> memref<128xf32, #tpu.memory_space<vmem>>
    %dma_wait3A_130 = arith.constant 0 : i32
    %dma_wait3A_131 = tpu.memref_slice %arg8[%dma_wait3A_127, %dma_wait3A_130] : memref<8x128xi32, #tpu.memory_space<vmem>> -> memref<1x128xi32, #tpu.memory_space<vmem>>
    %dma_wait3A_132 = tpu.memref_squeeze %dma_wait3A_131 : memref<1x128xi32, #tpu.memory_space<vmem>> -> memref<128xi32, #tpu.memory_space<vmem>>
    %dma_wait3A_133 = arith.constant 0 : i32
    %dma_wait3A_134 = tpu.memref_slice %arg5[%dma_wait3A_133] : memref<1000000xf32, #tpu.memory_space<hbm>> -> memref<1000000xf32, #tpu.memory_space<hbm>>
    tpu.wait_indirect_dma semaphore(%arg16 : memref<!tpu.dma_semaphore, #tpu.memory_space<semaphore_mem>>) src(%dma_wait3A_134 : memref<1000000xf32, #tpu.memory_space<hbm>>) dst(%dma_wait3A_129 : memref<128xf32, #tpu.memory_space<vmem>>)
    %broadcast_in_dim3A = arith.constant 0.000000e+00 : f32
    %broadcast_in_dim3A_135 = vector.broadcast %broadcast_in_dim3A : f32 to vector<16xf32>
    %scan3A = arith.constant 0 : i32
    %scan3A_136 = arith.constant 32 : i32
    %scan3A_137 = arith.addi %scan3A, %scan3A_136 : i32
    %scan3A_138 = arith.constant 1 : i32
    %scan3A_139 = scf.for %scan3A_152 = %scan3A to %scan3A_137 step %scan3A_138 iter_args(%scan3A_153 = %broadcast_in_dim3A_135) -> (vector<16xf32>)  : i32 {
      %mul3A_154 = arith.constant 32 : i32
      %mul3A_155 = arith.muli %scan3A_152, %mul3A_154 : i32
      %add3A = arith.constant 0 : i32
      %add3A_156 = arith.addi %mul3A_155, %add3A : i32
      %get3A = arith.index_cast %add3A_156 : i32 to index
      %get3A_157 = tpu.vector_load %arg9[%get3A] {strides = array<i32>} : memref<1024xf32, #tpu.memory_space<vmem>>, vector<16xf32>,
      %get3A_158 = vector.shape_cast %get3A_157 : vector<16xf32> to vector<16xf32>
      %get3A_159 = arith.index_cast %add3A_156 : i32 to index
      %get3A_160 = tpu.vector_load %arg10[%get3A_159] {strides = array<i32>} : memref<1024xf32, #tpu.memory_space<vmem>>, vector<16xf32>,
      %get3A_161 = vector.shape_cast %get3A_160 : vector<16xf32> to vector<16xf32>
      %get3A_162 = arith.index_cast %add3A_156 : i32 to index
      %get3A_163 = tpu.vector_load %arg11[%get3A_162] {strides = array<i32>} : memref<1024xf32, #tpu.memory_space<vmem>>, vector<16xf32>,
      %get3A_164 = vector.shape_cast %get3A_163 : vector<16xf32> to vector<16xf32>
      %neg3A = arith.constant 0.000000e+00 : f32
      %neg3A_165 = vector.broadcast %neg3A : f32 to vector<16xf32>
      %neg3A_166 = arith.subf %neg3A_165, %get3A_158 : vector<16xf32>
      %exp3A = math.exp %neg3A_166 : vector<16xf32>
      %add3A_167 = arith.constant 1.000000e+00 : f32
      %add3A_168 = vector.broadcast %add3A_167 : f32 to vector<16xf32>
      %add3A_169 = arith.addf %add3A_168, %exp3A : vector<16xf32>
      %div3A = arith.constant 2.000000e+00 : f32
      %div3A_170 = vector.broadcast %div3A : f32 to vector<16xf32>
      %div3A_171 = arith.divf %div3A_170, %add3A_169 : vector<16xf32>
      %mul3A_172 = arith.mulf %get3A_161, %div3A_171 : vector<16xf32>
      %jit3A = arith.constant 0.000000e+00 : f32
      %jit3A_173 = arith.constant 1.000000e+00 : f32
      %max3A = vector.broadcast %jit3A : f32 to vector<16xf32>
      %max3A_174 = arith.maximumf %max3A, %mul3A_172 : vector<16xf32>
      %min3A = vector.broadcast %jit3A_173 : f32 to vector<16xf32>
      %min3A_175 = arith.minimumf %min3A, %max3A_174 : vector<16xf32>
      %swap3A_176 = arith.index_cast %add3A_156 : i32 to index
      %swap3A_177 = tpu.vector_load %arg12[%swap3A_176] {strides = array<i32>} : memref<1024xf32, #tpu.memory_space<vmem>>, vector<16xf32>,
      %swap3A_178 = vector.shape_cast %swap3A_177 : vector<16xf32> to vector<16xf32>
      %swap3A_179 = vector.shape_cast %min3A_175 : vector<16xf32> to vector<16xf32>
      tpu.vector_store %arg12[%swap3A_176], %swap3A_179 {strides = array<i32>} : memref<1024xf32, #tpu.memory_space<vmem>>, vector<16xf32>,
      %mul3A_180 = arith.constant 1.500000e+00 : f32
      %mul3A_181 = vector.broadcast %mul3A_180 : f32 to vector<16xf32>
      %mul3A_182 = arith.mulf %mul3A_181, %get3A_164 : vector<16xf32>
      %sub3A = arith.constant 1.000000e+00 : f32
      %sub3A_183 = vector.broadcast %sub3A : f32 to vector<16xf32>
      %sub3A_184 = arith.subf %sub3A_183, %mul3A_182 : vector<16xf32>
      %mul3A_185 = arith.mulf %min3A_175, %sub3A_184 : vector<16xf32>
      %mul3A_186 = arith.constant 5.000000e-01 : f32
      %mul3A_187 = vector.broadcast %mul3A_186 : f32 to vector<16xf32>
      %mul3A_188 = arith.mulf %mul3A_187, %get3A_164 : vector<16xf32>
      %add3A_189 = arith.addf %mul3A_185, %mul3A_188 : vector<16xf32>
      %sub3A_190 = arith.constant 1.000000e+00 : f32
      %sub3A_191 = vector.broadcast %sub3A_190 : f32 to vector<16xf32>
      %sub3A_192 = arith.subf %div3A_171, %sub3A_191 : vector<16xf32>
      %abs3A = math.absf %sub3A_192 : vector<16xf32>
      %mul3A_193 = arith.constant 1.000000e-01 : f32
      %mul3A_194 = vector.broadcast %mul3A_193 : f32 to vector<16xf32>
      %mul3A_195 = arith.mulf %mul3A_194, %abs3A : vector<16xf32>
      %add3A_196 = arith.addf %add3A_189, %mul3A_195 : vector<16xf32>
      %add3A_197 = arith.addf %scan3A_153, %add3A_196 : vector<16xf32>
      %mul3A_198 = arith.constant 32 : i32
      %mul3A_199 = arith.muli %scan3A_152, %mul3A_198 : i32
      %add3A_200 = arith.constant 16 : i32
      %add3A_201 = arith.addi %mul3A_199, %add3A_200 : i32
      %get3A_202 = arith.index_cast %add3A_201 : i32 to index
      %get3A_203 = tpu.vector_load %arg9[%get3A_202] {strides = array<i32>} : memref<1024xf32, #tpu.memory_space<vmem>>, vector<16xf32>,
      %get3A_204 = vector.shape_cast %get3A_203 : vector<16xf32> to vector<16xf32>
      %get3A_205 = arith.index_cast %add3A_201 : i32 to index
      %get3A_206 = tpu.vector_load %arg10[%get3A_205] {strides = array<i32>} : memref<1024xf32, #tpu.memory_space<vmem>>, vector<16xf32>,
      %get3A_207 = vector.shape_cast %get3A_206 : vector<16xf32> to vector<16xf32>
      %get3A_208 = arith.index_cast %add3A_201 : i32 to index
      %get3A_209 = tpu.vector_load %arg11[%get3A_208] {strides = array<i32>} : memref<1024xf32, #tpu.memory_space<vmem>>, vector<16xf32>,
      %get3A_210 = vector.shape_cast %get3A_209 : vector<16xf32> to vector<16xf32>
      %neg3A_211 = arith.constant 0.000000e+00 : f32
      %neg3A_212 = vector.broadcast %neg3A_211 : f32 to vector<16xf32>
      %neg3A_213 = arith.subf %neg3A_212, %get3A_204 : vector<16xf32>
      %exp3A_214 = math.exp %neg3A_213 : vector<16xf32>
      %add3A_215 = arith.constant 1.000000e+00 : f32
      %add3A_216 = vector.broadcast %add3A_215 : f32 to vector<16xf32>
      %add3A_217 = arith.addf %add3A_216, %exp3A_214 : vector<16xf32>
      %div3A_218 = arith.constant 2.000000e+00 : f32
      %div3A_219 = vector.broadcast %div3A_218 : f32 to vector<16xf32>
      %div3A_220 = arith.divf %div3A_219, %add3A_217 : vector<16xf32>
      %mul3A_221 = arith.mulf %get3A_207, %div3A_220 : vector<16xf32>
      %jit3A_222 = arith.constant 0.000000e+00 : f32
      %jit3A_223 = arith.constant 1.000000e+00 : f32
      %max3A_224 = vector.broadcast %jit3A_222 : f32 to vector<16xf32>
      %max3A_225 = arith.maximumf %max3A_224, %mul3A_221 : vector<16xf32>
      %min3A_226 = vector.broadcast %jit3A_223 : f32 to vector<16xf32>
      %min3A_227 = arith.minimumf %min3A_226, %max3A_225 : vector<16xf32>
      %swap3A_228 = arith.index_cast %add3A_201 : i32 to index
      %swap3A_229 = tpu.vector_load %arg12[%swap3A_228] {strides = array<i32>} : memref<1024xf32, #tpu.memory_space<vmem>>, vector<16xf32>,
      %swap3A_230 = vector.shape_cast %swap3A_229 : vector<16xf32> to vector<16xf32>
      %swap3A_231 = vector.shape_cast %min3A_227 : vector<16xf32> to vector<16xf32>
      tpu.vector_store %arg12[%swap3A_228], %swap3A_231 {strides = array<i32>} : memref<1024xf32, #tpu.memory_space<vmem>>, vector<16xf32>,
      %mul3A_232 = arith.constant 1.500000e+00 : f32
      %mul3A_233 = vector.broadcast %mul3A_232 : f32 to vector<16xf32>
      %mul3A_234 = arith.mulf %mul3A_233, %get3A_210 : vector<16xf32>
      %sub3A_235 = arith.constant 1.000000e+00 : f32
      %sub3A_236 = vector.broadcast %sub3A_235 : f32 to vector<16xf32>
      %sub3A_237 = arith.subf %sub3A_236, %mul3A_234 : vector<16xf32>
      %mul3A_238 = arith.mulf %min3A_227, %sub3A_237 : vector<16xf32>
      %mul3A_239 = arith.constant 5.000000e-01 : f32
      %mul3A_240 = vector.broadcast %mul3A_239 : f32 to vector<16xf32>
      %mul3A_241 = arith.mulf %mul3A_240, %get3A_210 : vector<16xf32>
      %add3A_242 = arith.addf %mul3A_238, %mul3A_241 : vector<16xf32>
      %sub3A_243 = arith.constant 1.000000e+00 : f32
      %sub3A_244 = vector.broadcast %sub3A_243 : f32 to vector<16xf32>
      %sub3A_245 = arith.subf %div3A_220, %sub3A_244 : vector<16xf32>
      %abs3A_246 = math.absf %sub3A_245 : vector<16xf32>
      %mul3A_247 = arith.constant 1.000000e-01 : f32
      %mul3A_248 = vector.broadcast %mul3A_247 : f32 to vector<16xf32>
      %mul3A_249 = arith.mulf %mul3A_248, %abs3A_246 : vector<16xf32>
      %add3A_250 = arith.addf %add3A_242, %mul3A_249 : vector<16xf32>
      %add3A_251 = arith.addf %add3A_197, %add3A_250 : vector<16xf32>
      scf.yield %add3A_251 : vector<16xf32>
    }
    %scan3A_140 = arith.constant 32 : i32
    %swap3A = arith.constant 0 : index
    %swap3A_141 = tpu.vector_load %arg13[%swap3A] {strides = array<i32>} : memref<16xf32, #tpu.memory_space<vmem>>, vector<16xf32>,
    %swap3A_142 = vector.shape_cast %swap3A_141 : vector<16xf32> to vector<16xf32>
    %swap3A_143 = vector.shape_cast %scan3A_139 : vector<16xf32> to vector<16xf32>
    tpu.vector_store %arg13[%swap3A], %swap3A_143 {strides = array<i32>} : memref<16xf32, #tpu.memory_space<vmem>>, vector<16xf32>,
    %mul3A_144 = arith.constant 16 : i32
    %mul3A_145 = arith.muli %arg1, %mul3A_144 : i32
    "tpu.region"() ({
      %run_scoped3A = tpu.sem_alloc : memref<!tpu.dma_semaphore, #tpu.memory_space<semaphore_mem>>
      %dma_start3A_152 = tpu.memref_slice %arg15[%mul3A_145] : memref<256xf32, #tpu.memory_space<vmem_shared>> -> memref<16xf32, #tpu.memory_space<vmem_shared>>
      %dma_start3A_153 = tpu.memref_slice %arg15[%mul3A_145] : memref<256xf32, #tpu.memory_space<vmem_shared>> -> memref<16xf32, #tpu.memory_space<vmem_shared>>
      tpu.enqueue_dma source(%arg13 : memref<16xf32, #tpu.memory_space<vmem>>) target(%dma_start3A_153 : memref<16xf32, #tpu.memory_space<vmem_shared>>) target_semaphore(%run_scoped3A : memref<!tpu.dma_semaphore, #tpu.memory_space<semaphore_mem>>)
      %dma_wait3A_154 = tpu.memref_slice %arg15[%mul3A_145] : memref<256xf32, #tpu.memory_space<vmem_shared>> -> memref<16xf32, #tpu.memory_space<vmem_shared>>
      %dma_wait3A_155 = tpu.memref_slice %arg15[%mul3A_145] : memref<256xf32, #tpu.memory_space<vmem_shared>> -> memref<16xf32, #tpu.memory_space<vmem_shared>>
      tpu.wait_dma2 semaphore(%run_scoped3A : memref<!tpu.dma_semaphore, #tpu.memory_space<semaphore_mem>>) src(%arg13 : memref<16xf32, #tpu.memory_space<vmem>>) dst(%dma_wait3A_155 : memref<16xf32, #tpu.memory_space<vmem_shared>>)
      tpu.yield
    }) : () -> ()
    %dma_start3A_146 = tpu.memref_slice %arg6[%mul3A_0] : memref<16384xf32, #tpu.memory_space<hbm>> -> memref<1024xf32, #tpu.memory_space<hbm>>
    %dma_start3A_147 = tpu.memref_slice %arg6[%mul3A_0] : memref<16384xf32, #tpu.memory_space<hbm>> -> memref<1024xf32, #tpu.memory_space<hbm>>
    tpu.enqueue_dma source(%arg12 : memref<1024xf32, #tpu.memory_space<vmem>>) target(%dma_start3A_147 : memref<1024xf32, #tpu.memory_space<hbm>>) target_semaphore(%arg17 : memref<!tpu.dma_semaphore, #tpu.memory_space<semaphore_mem>>)
    %barrier3A = arith.constant 0 : index
    tpu.barrier barrier_id(%barrier3A)
    %eq3A = arith.constant 0 : i32
    %eq3A_148 = arith.cmpi eq, %arg1, %eq3A : i32
    %convert_element_type3A = arith.extui %eq3A_148 : i1 to i32
    %cond3A = arith.constant 0 : i32
    %cond3A_149 = arith.cmpi ne, %convert_element_type3A, %cond3A : i32
    scf.if %cond3A_149 {
      "tpu.region"() ({
        %run_scoped3A = tpu.sem_alloc : memref<!tpu.dma_semaphore, #tpu.memory_space<semaphore_mem>>
        tpu.enqueue_dma source(%arg15 : memref<256xf32, #tpu.memory_space<vmem_shared>>) target(%arg14 : memref<256xf32, #tpu.memory_space<vmem>>) target_semaphore(%run_scoped3A : memref<!tpu.dma_semaphore, #tpu.memory_space<semaphore_mem>>)
        tpu.wait_dma2 semaphore(%run_scoped3A : memref<!tpu.dma_semaphore, #tpu.memory_space<semaphore_mem>>) src(%arg15 : memref<256xf32, #tpu.memory_space<vmem_shared>>) dst(%arg14 : memref<256xf32, #tpu.memory_space<vmem>>)
        tpu.yield
      }) : () -> ()
      %get3A = arith.constant 0 : index
      %get3A_152 = tpu.vector_load %arg14[%get3A] {strides = array<i32>} : memref<256xf32, #tpu.memory_space<vmem>>, vector<16xf32>,
      %get3A_153 = vector.shape_cast %get3A_152 : vector<16xf32> to vector<16xf32>
      %get3A_154 = arith.constant 16 : index
      %get3A_155 = tpu.vector_load %arg14[%get3A_154] {strides = array<i32>} : memref<256xf32, #tpu.memory_space<vmem>>, vector<16xf32>,
      %get3A_156 = vector.shape_cast %get3A_155 : vector<16xf32> to vector<16xf32>
      %add3A = arith.addf %get3A_153, %get3A_156 : vector<16xf32>
      %get3A_157 = arith.constant 32 : index
      %get3A_158 = tpu.vector_load %arg14[%get3A_157] {strides = array<i32>} : memref<256xf32, #tpu.memory_space<vmem>>, vector<16xf32>,
      %get3A_159 = vector.shape_cast %get3A_158 : vector<16xf32> to vector<16xf32>
      %add3A_160 = arith.addf %add3A, %get3A_159 : vector<16xf32>
      %get3A_161 = arith.constant 48 : index
      %get3A_162 = tpu.vector_load %arg14[%get3A_161] {strides = array<i32>} : memref<256xf32, #tpu.memory_space<vmem>>, vector<16xf32>,
      %get3A_163 = vector.shape_cast %get3A_162 : vector<16xf32> to vector<16xf32>
      %add3A_164 = arith.addf %add3A_160, %get3A_163 : vector<16xf32>
      %get3A_165 = arith.constant 64 : index
      %get3A_166 = tpu.vector_load %arg14[%get3A_165] {strides = array<i32>} : memref<256xf32, #tpu.memory_space<vmem>>, vector<16xf32>,
      %get3A_167 = vector.shape_cast %get3A_166 : vector<16xf32> to vector<16xf32>
      %add3A_168 = arith.addf %add3A_164, %get3A_167 : vector<16xf32>
      %get3A_169 = arith.constant 80 : index
      %get3A_170 = tpu.vector_load %arg14[%get3A_169] {strides = array<i32>} : memref<256xf32, #tpu.memory_space<vmem>>, vector<16xf32>,
      %get3A_171 = vector.shape_cast %get3A_170 : vector<16xf32> to vector<16xf32>
      %add3A_172 = arith.addf %add3A_168, %get3A_171 : vector<16xf32>
      %get3A_173 = arith.constant 96 : index
      %get3A_174 = tpu.vector_load %arg14[%get3A_173] {strides = array<i32>} : memref<256xf32, #tpu.memory_space<vmem>>, vector<16xf32>,
      %get3A_175 = vector.shape_cast %get3A_174 : vector<16xf32> to vector<16xf32>
      %add3A_176 = arith.addf %add3A_172, %get3A_175 : vector<16xf32>
      %get3A_177 = arith.constant 112 : index
      %get3A_178 = tpu.vector_load %arg14[%get3A_177] {strides = array<i32>} : memref<256xf32, #tpu.memory_space<vmem>>, vector<16xf32>,
      %get3A_179 = vector.shape_cast %get3A_178 : vector<16xf32> to vector<16xf32>
      %add3A_180 = arith.addf %add3A_176, %get3A_179 : vector<16xf32>
      %get3A_181 = arith.constant 128 : index
      %get3A_182 = tpu.vector_load %arg14[%get3A_181] {strides = array<i32>} : memref<256xf32, #tpu.memory_space<vmem>>, vector<16xf32>,
      %get3A_183 = vector.shape_cast %get3A_182 : vector<16xf32> to vector<16xf32>
      %add3A_184 = arith.addf %add3A_180, %get3A_183 : vector<16xf32>
      %get3A_185 = arith.constant 144 : index
      %get3A_186 = tpu.vector_load %arg14[%get3A_185] {strides = array<i32>} : memref<256xf32, #tpu.memory_space<vmem>>, vector<16xf32>,
      %get3A_187 = vector.shape_cast %get3A_186 : vector<16xf32> to vector<16xf32>
      %add3A_188 = arith.addf %add3A_184, %get3A_187 : vector<16xf32>
      %get3A_189 = arith.constant 160 : index
      %get3A_190 = tpu.vector_load %arg14[%get3A_189] {strides = array<i32>} : memref<256xf32, #tpu.memory_space<vmem>>, vector<16xf32>,
      %get3A_191 = vector.shape_cast %get3A_190 : vector<16xf32> to vector<16xf32>
      %add3A_192 = arith.addf %add3A_188, %get3A_191 : vector<16xf32>
      %get3A_193 = arith.constant 176 : index
      %get3A_194 = tpu.vector_load %arg14[%get3A_193] {strides = array<i32>} : memref<256xf32, #tpu.memory_space<vmem>>, vector<16xf32>,
      %get3A_195 = vector.shape_cast %get3A_194 : vector<16xf32> to vector<16xf32>
      %add3A_196 = arith.addf %add3A_192, %get3A_195 : vector<16xf32>
      %get3A_197 = arith.constant 192 : index
      %get3A_198 = tpu.vector_load %arg14[%get3A_197] {strides = array<i32>} : memref<256xf32, #tpu.memory_space<vmem>>, vector<16xf32>,
      %get3A_199 = vector.shape_cast %get3A_198 : vector<16xf32> to vector<16xf32>
      %add3A_200 = arith.addf %add3A_196, %get3A_199 : vector<16xf32>
      %get3A_201 = arith.constant 208 : index
      %get3A_202 = tpu.vector_load %arg14[%get3A_201] {strides = array<i32>} : memref<256xf32, #tpu.memory_space<vmem>>, vector<16xf32>,
      %get3A_203 = vector.shape_cast %get3A_202 : vector<16xf32> to vector<16xf32>
      %add3A_204 = arith.addf %add3A_200, %get3A_203 : vector<16xf32>
      %get3A_205 = arith.constant 224 : index
      %get3A_206 = tpu.vector_load %arg14[%get3A_205] {strides = array<i32>} : memref<256xf32, #tpu.memory_space<vmem>>, vector<16xf32>,
      %get3A_207 = vector.shape_cast %get3A_206 : vector<16xf32> to vector<16xf32>
      %add3A_208 = arith.addf %add3A_204, %get3A_207 : vector<16xf32>
      %get3A_209 = arith.constant 240 : index
      %get3A_210 = tpu.vector_load %arg14[%get3A_209] {strides = array<i32>} : memref<256xf32, #tpu.memory_space<vmem>>, vector<16xf32>,
      %get3A_211 = vector.shape_cast %get3A_210 : vector<16xf32> to vector<16xf32>
      %add3A_212 = arith.addf %add3A_208, %get3A_211 : vector<16xf32>
      %slice3A = vector.extract_strided_slice %add3A_212 {offsets = [0], sizes = [1], strides = [1]} : vector<16xf32> to vector<1xf32>
      %squeeze3A = vector.extract %slice3A[0] : f32 from vector<1xf32>
      %slice3A_213 = vector.extract_strided_slice %add3A_212 {offsets = [1], sizes = [1], strides = [1]} : vector<16xf32> to vector<1xf32>
      %squeeze3A_214 = vector.extract %slice3A_213[0] : f32 from vector<1xf32>
      %add3A_215 = arith.addf %squeeze3A, %squeeze3A_214 : f32
      %slice3A_216 = vector.extract_strided_slice %add3A_212 {offsets = [2], sizes = [1], strides = [1]} : vector<16xf32> to vector<1xf32>
      %squeeze3A_217 = vector.extract %slice3A_216[0] : f32 from vector<1xf32>
      %add3A_218 = arith.addf %add3A_215, %squeeze3A_217 : f32
      %slice3A_219 = vector.extract_strided_slice %add3A_212 {offsets = [3], sizes = [1], strides = [1]} : vector<16xf32> to vector<1xf32>
      %squeeze3A_220 = vector.extract %slice3A_219[0] : f32 from vector<1xf32>
      %add3A_221 = arith.addf %add3A_218, %squeeze3A_220 : f32
      %slice3A_222 = vector.extract_strided_slice %add3A_212 {offsets = [4], sizes = [1], strides = [1]} : vector<16xf32> to vector<1xf32>
      %squeeze3A_223 = vector.extract %slice3A_222[0] : f32 from vector<1xf32>
      %add3A_224 = arith.addf %add3A_221, %squeeze3A_223 : f32
      %slice3A_225 = vector.extract_strided_slice %add3A_212 {offsets = [5], sizes = [1], strides = [1]} : vector<16xf32> to vector<1xf32>
      %squeeze3A_226 = vector.extract %slice3A_225[0] : f32 from vector<1xf32>
      %add3A_227 = arith.addf %add3A_224, %squeeze3A_226 : f32
      %slice3A_228 = vector.extract_strided_slice %add3A_212 {offsets = [6], sizes = [1], strides = [1]} : vector<16xf32> to vector<1xf32>
      %squeeze3A_229 = vector.extract %slice3A_228[0] : f32 from vector<1xf32>
      %add3A_230 = arith.addf %add3A_227, %squeeze3A_229 : f32
      %slice3A_231 = vector.extract_strided_slice %add3A_212 {offsets = [7], sizes = [1], strides = [1]} : vector<16xf32> to vector<1xf32>
      %squeeze3A_232 = vector.extract %slice3A_231[0] : f32 from vector<1xf32>
      %add3A_233 = arith.addf %add3A_230, %squeeze3A_232 : f32
      %slice3A_234 = vector.extract_strided_slice %add3A_212 {offsets = [8], sizes = [1], strides = [1]} : vector<16xf32> to vector<1xf32>
      %squeeze3A_235 = vector.extract %slice3A_234[0] : f32 from vector<1xf32>
      %add3A_236 = arith.addf %add3A_233, %squeeze3A_235 : f32
      %slice3A_237 = vector.extract_strided_slice %add3A_212 {offsets = [9], sizes = [1], strides = [1]} : vector<16xf32> to vector<1xf32>
      %squeeze3A_238 = vector.extract %slice3A_237[0] : f32 from vector<1xf32>
      %add3A_239 = arith.addf %add3A_236, %squeeze3A_238 : f32
      %slice3A_240 = vector.extract_strided_slice %add3A_212 {offsets = [10], sizes = [1], strides = [1]} : vector<16xf32> to vector<1xf32>
      %squeeze3A_241 = vector.extract %slice3A_240[0] : f32 from vector<1xf32>
      %add3A_242 = arith.addf %add3A_239, %squeeze3A_241 : f32
      %slice3A_243 = vector.extract_strided_slice %add3A_212 {offsets = [11], sizes = [1], strides = [1]} : vector<16xf32> to vector<1xf32>
      %squeeze3A_244 = vector.extract %slice3A_243[0] : f32 from vector<1xf32>
      %add3A_245 = arith.addf %add3A_242, %squeeze3A_244 : f32
      %slice3A_246 = vector.extract_strided_slice %add3A_212 {offsets = [12], sizes = [1], strides = [1]} : vector<16xf32> to vector<1xf32>
      %squeeze3A_247 = vector.extract %slice3A_246[0] : f32 from vector<1xf32>
      %add3A_248 = arith.addf %add3A_245, %squeeze3A_247 : f32
      %slice3A_249 = vector.extract_strided_slice %add3A_212 {offsets = [13], sizes = [1], strides = [1]} : vector<16xf32> to vector<1xf32>
      %squeeze3A_250 = vector.extract %slice3A_249[0] : f32 from vector<1xf32>
      %add3A_251 = arith.addf %add3A_248, %squeeze3A_250 : f32
      %slice3A_252 = vector.extract_strided_slice %add3A_212 {offsets = [14], sizes = [1], strides = [1]} : vector<16xf32> to vector<1xf32>
      %squeeze3A_253 = vector.extract %slice3A_252[0] : f32 from vector<1xf32>
      %add3A_254 = arith.addf %add3A_251, %squeeze3A_253 : f32
      %slice3A_255 = vector.extract_strided_slice %add3A_212 {offsets = [15], sizes = [1], strides = [1]} : vector<16xf32> to vector<1xf32>
      %squeeze3A_256 = vector.extract %slice3A_255[0] : f32 from vector<1xf32>
      %add3A_257 = arith.addf %add3A_254, %squeeze3A_256 : f32
      %mul3A_258 = arith.constant 6.10351563E-5 : f32
      %mul3A_259 = arith.mulf %add3A_257, %mul3A_258 : f32
      %broadcast_in_dim3A_260 = vector.broadcast %mul3A_259 : f32 to vector<16xf32>
      %swap3A_261 = arith.constant 0 : index
      %swap3A_262 = tpu.vector_load %arg13[%swap3A_261] {strides = array<i32>} : memref<16xf32, #tpu.memory_space<vmem>>, vector<16xf32>,
      %swap3A_263 = vector.shape_cast %swap3A_262 : vector<16xf32> to vector<16xf32>
      %swap3A_264 = vector.shape_cast %broadcast_in_dim3A_260 : vector<16xf32> to vector<16xf32>
      tpu.vector_store %arg13[%swap3A_261], %swap3A_264 {strides = array<i32>} : memref<16xf32, #tpu.memory_space<vmem>>, vector<16xf32>,
      "tpu.region"() ({
        %run_scoped3A = tpu.sem_alloc : memref<!tpu.dma_semaphore, #tpu.memory_space<semaphore_mem>>
        tpu.enqueue_dma source(%arg13 : memref<16xf32, #tpu.memory_space<vmem>>) target(%arg7 : memref<16xf32, #tpu.memory_space<hbm>>) target_semaphore(%run_scoped3A : memref<!tpu.dma_semaphore, #tpu.memory_space<semaphore_mem>>)
        tpu.wait_dma2 semaphore(%run_scoped3A : memref<!tpu.dma_semaphore, #tpu.memory_space<semaphore_mem>>) src(%arg13 : memref<16xf32, #tpu.memory_space<vmem>>) dst(%arg7 : memref<16xf32, #tpu.memory_space<hbm>>)
        tpu.yield
      }) : () -> ()
    } else {
    }
    %dma_wait3A_150 = tpu.memref_slice %arg6[%mul3A_0] : memref<16384xf32, #tpu.memory_space<hbm>> -> memref<1024xf32, #tpu.memory_space<hbm>>
    %dma_wait3A_151 = tpu.memref_slice %arg6[%mul3A_0] : memref<16384xf32, #tpu.memory_space<hbm>> -> memref<1024xf32, #tpu.memory_space<hbm>>
    tpu.wait_dma2 semaphore(%arg17 : memref<!tpu.dma_semaphore, #tpu.memory_space<semaphore_mem>>) src(%arg12 : memref<1024xf32, #tpu.memory_space<vmem>>) dst(%dma_wait3A_151 : memref<1024xf32, #tpu.memory_space<hbm>>)
    return
  }
}

</mosaic_0001>

<sc_bundles>
// kernel: kernel.3.cloned.1.call-start
scs
__scs_entry_jumppad:
0x0: {  	(pc) =	sbr.rel $0x88, $3  }
0x1: {  	(tag) =	ssettag $0x0;
	lr =	simm.s32 $0x1  }
0x2: {  	[smem:$0x3F9D] =	sst lr;
	_ =	strace $0xD0000000  }
0x3: {  	_ = 	snop  }
0x4: {  	_ = 	snop  }
0x5: {  	_ = 	snop  }
0x6: {  	_ = 	snop  }
0x7: {  	_ = 	snop  }
__scs_overlays_trampoline_lowered:
0x8: {  	[smem:$0x3FAC] =	sst s0  }
0x9: {  	[smem:$0x3FAD] =	sst s1  }
0xa: {  	[smem:$0x3FAE] =	sst s2  }
0xb: {  	[smem:$0x3FAF] =	sst s3  }
0xc: {  	[smem:$0x3FB0] =	sst s4  }
0xd: {  	[smem:$0x3FB1] =	sst s5  }
0xe: {  	[smem:$0x3FB2] =	sst s6  }
0xf: {  	[smem:$0x3FB3] =	sst s7  }
0x10: {  	[smem:$0x3FB4] =	sst s8  }
0x11: {  	[smem:$0x3FB5] =	sst s9;
	s0 =	simm.s32 @!p0 $0x0  }
0x12: {  	s1 =	sld [smem:$0x3F9B];
	s0 =	simm.s32 @p0 $0x1  }
0x13: {  	[smem:$0x3FB6] =	sst s0;
	s0 =	simm.s32 @!p1 $0x0  }
0x14: {  	s2 =	sld [smem:$0x3F9A];
	s0 =	simm.s32 @p1 $0x1  }
0x15: {  	[smem:$0x3FB7] =	sst s0;
	s0 =	simm.s32 @!p2 $0x0  }
0x16: {  	s3 =	sld [smem:$0x3FDB];
	s0 =	simm.s32 @p2 $0x1  }
0x17: {  	s4 =	simm.s32 $0x1BF5;
	[smem:$0x3FB9] =	sst s0  }
0x18: {  	s0 =	sld [smem:$0x3F9C];
	_ =	swait.ge [sflag:s4], $0x0  }
0x19: {  	s7 =	sld [smem:$0x3F9D]  }
0x1a: {  	s8 =	sadd.s32 $0xFFFFE003, lr  }
0x1b: {  	s9 =	sadd.s32 $0xFFFFFEF7, lr;
	s5 =	simm.s32 $0xFFFFFFFF;
	p2 =	slt.u32 s8, $0xFFFFF086  }
0x1c: {  	p1 =	slt.u32 s9, $0xF7A;
	s5 =	simm.s32 @!p2 $0x0  }
0x1d: {  	s5 =	simm.s32 @p1 $0x1;
	p0 =	seq.s32 s7, s2  }
0x1e: {  	s7 =	smul.u32 @!p0 $0xF7A, s2;
	p2 =	seq.s32 @!p0 s5, $0x0  }
0x1f: {  	s9 =	smul.u32 $0xF7A, s1;
	s8 =	simm.s32 @!p0 $0x1BF5;
	p2 =	por !p2, p0  }
0x20: {  	[sflag:s8] =	ssyncset.s32 @!p0 $0xFFFFF086;
	s6 =	sadd.s32 @!p0 s3, s7;
	s7 =	simm.s32 @!p0 $0x108  }
0x21: {  	s3 =	sadd.s32 s3, s9;
	s6 =	sadd.s32 @!p0 $0x88, s6;
	s7 =	simm.s32 @p2 $0x1082  }
0x22: {  	[simem:s7], [sflag:s8] =	dma.local @!p0 [hbm:s6], $0xF7A  }
0x23: {  	s9 =	sor.u32 $0xD0000000, s2;
	s6 =	simm.s32 $0x108;
	_ =	swait.ge @!p0 [sflag:s8], $0x0  }
0x24: {  	s3 =	sadd.s32 $0x88, s3;
	s6 =	simm.s32 @!p1 $0x1082;
	[sflag:s4] =	ssyncset.s32 $0xFFFFF086  }
0x25: {  	[simem:s6], [sflag:s4] =	dma.local [hbm:s3], $0xF7A  }
0x26: {  	[smem:$0x3F9D] =	sst s1;
	(tag) =	ssettag s2;
	_ =	strace s9  }
0x27: {  	s1 =	sld [smem:$0x3FAD]  }
0x28: {  	s2 =	sld [smem:$0x3FAE]  }
0x29: {  	s4 =	sld [smem:$0x3FB0]  }
0x2a: {  	p0 =	seq.s32 s5, $0x0;
	s5 =	sld [smem:$0x3FB1]  }
0x2b: {  	s6 =	sld [smem:$0x3FB2]  }
0x2c: {  	s7 =	sld [smem:$0x3FB3]  }
0x2d: {  	s3 =	simm.s32 $0x108;
	s8 =	sld [smem:$0x3FB4]  }
0x2e: {  	s3 =	simm.s32 @!p0 $0x1082;
	s9 =	sld [smem:$0x3FB5]  }
0x2f: {  	lr =	sadd.s32 s0, s3;
	s0 =	sld [smem:$0x3FAC]  }
0x30: {  	s3 =	sld [smem:$0x3FAF]  }
0x31: {  	[smem:$0x3FB8] =	sst s10  }
0x32: {  	s10 =	sld [smem:$0x3FB6];
	_ =	sdelay $0x3  }
0x33: {  	p0 =	seq.s32 s10, $0x1;
	s10 =	sld [smem:$0x3FB8];
	_ =	sdelay $0x3  }
0x34: {  	[smem:$0x3FB8] =	sst s10  }
0x35: {  	s10 =	sld [smem:$0x3FB7];
	_ =	sdelay $0x3  }
0x36: {  	p1 =	seq.s32 s10, $0x1;
	s10 =	sld [smem:$0x3FB8];
	_ =	sdelay $0x3  }
0x37: {  	[smem:$0x3FB8] =	sst s10  }
0x38: {  	s10 =	sld [smem:$0x3FB9]  }
0x39: {  	_ = 	snop;
	(pc) =	sbr.ind lr, $3  }
0x3a: {  	_ = 	snop  }
0x3b: {  	_ = 	snop  }
0x3c: {  	p2 =	seq.s32 s10, $0x1;
	s10 =	sld [smem:$0x3FB8]  }
0x3d: {  	_ =	shalt  }
0x3e: {  	_ =	shalt  }
0x3f: {  	_ =	shalt  }
0x40: {  	_ =	shalt  }
0x41: {  	_ =	shalt  }
0x42: {  	_ =	shalt  }
0x43: {  	_ =	shalt  }
0x44: {  	_ =	shalt  }
0x45: {  	_ =	shalt  }
0x46: {  	_ =	shalt  }
0x47: {  	_ =	shalt  }
0x48: {  	_ =	shalt  }
0x49: {  	_ =	shalt  }
0x4a: {  	_ =	shalt  }
0x4b: {  	_ =	shalt  }
0x4c: {  	_ =	shalt  }
0x4d: {  	_ =	shalt  }
0x4e: {  	_ =	shalt  }
0x4f: {  	_ =	shalt  }
0x50: {  	_ =	shalt  }
0x51: {  	_ =	shalt  }
0x52: {  	_ =	shalt  }
0x53: {  	_ =	shalt  }
0x54: {  	_ =	shalt  }
0x55: {  	_ =	shalt  }
0x56: {  	_ =	shalt  }
0x57: {  	_ =	shalt  }
0x58: {  	_ =	shalt  }
0x59: {  	_ =	shalt  }
0x5a: {  	_ =	shalt  }
0x5b: {  	_ =	shalt  }
0x5c: {  	_ =	shalt  }
0x5d: {  	_ =	shalt  }
0x5e: {  	_ =	shalt  }
0x5f: {  	_ =	shalt  }
0x60: {  	_ =	shalt  }
0x61: {  	_ =	shalt  }
0x62: {  	_ =	shalt  }
0x63: {  	_ =	shalt  }
0x64: {  	_ =	shalt  }
0x65: {  	_ =	shalt  }
0x66: {  	_ =	shalt  }
0x67: {  	_ =	shalt  }
0x68: {  	_ =	shalt  }
0x69: {  	_ =	shalt  }
0x6a: {  	_ =	shalt  }
0x6b: {  	_ =	shalt  }
0x6c: {  	_ =	shalt  }
0x6d: {  	_ =	shalt  }
0x6e: {  	_ =	shalt  }
0x6f: {  	_ =	shalt  }
0x70: {  	_ =	shalt  }
0x71: {  	_ =	shalt  }
0x72: {  	_ =	shalt  }
0x73: {  	_ =	shalt  }
0x74: {  	_ =	shalt  }
0x75: {  	_ =	shalt  }
0x76: {  	_ =	shalt  }
0x77: {  	_ =	shalt  }
0x78: {  	_ =	shalt  }
0x79: {  	_ =	shalt  }
0x7a: {  	_ =	shalt  }
0x7b: {  	_ =	shalt  }
0x7c: {  	_ =	shalt  }
0x7d: {  	_ =	shalt  }
0x7e: {  	_ =	shalt  }
0x7f: {  	_ =	shalt  }
0x80: {  	_ =	shalt  }
0x81: {  	_ =	shalt  }
0x82: {  	_ =	shalt  }
0x83: {  	_ =	shalt  }
0x84: {  	_ =	shalt  }
0x85: {  	_ =	shalt  }
0x86: {  	_ =	shalt  }
0x87: {  	_ =	shalt  }
.Lfunc_end0:
.L_simem_size_0:
called_computation_lowered:
.L_overlay_start_0:
0x88: {  	s0 =	sld [smem:$0x3FD9]  }
0x89: {  	s1 =	sld [smem:$0x3FFE];
	_ =	sdelay $0x3  }
0x8a: {  	s0 =	sadd.s32 s1, s0  }
0x8b: {  	[smem:$0x3FC4] =	sst s0  }
0x8c: {  	_ = 	snop  }
0x8d: {  	s0 =	sld [smem:$0x3FC9]  }
0x8e: {  	s14 =	sld [smem:$0x3FD0]  }
0x8f: {  	s2 =	sld [smem:$0x3FC8]  }
0x90: {  	s3 =	sld [smem:$0x3FC7]  }
0x91: {  	s5 =	simm.s32 $0xA;
	s6 =	simm.s32 $0x10;
	s4 =	sld [smem:$0x3FC6]  }
0x92: {  	[smem:s6], [sflag:s5] =	dma.local [hbm:s14], $0x1  }
0x93: {  	_ =	swait.eq [sflag:s5], $0x1  }
0x94: {  	[sflag:s5] =	ssyncset.done $0x0  }
0x95: {  	s15 =	sld [smem:$0x10];
	[sflag:s5] =	ssyncadd.s32 $0xFFFFFFFF  }
0x96: {  	s16 =	sld [smem:$0x11];
	(tm) =	ssettm $0x1  }
0x97: {  	s17 =	sld [smem:$0x3FFB];
	_ =	sdelay $0x3  }
0x98: {  	_ =	strace s17  }
0x99: {  	s6 =	sld [smem:$0x3FFC];
	_ =	sdelay $0x3  }
0x9a: {  	_ =	strace s6  }
0x9b: {  	s6 =	sld [smem:$0x3FFD];
	_ =	sdelay $0x3  }
0x9c: {  	_ =	strace s6  }
0x9d: {  	_ =	strace $0x8FFFFFFF  }
0x9e: {  	s18 =	sld [smem:$0x3FDB];
	_ =	sdelay $0x1  }
0x9f: {  	s7 =	simm.s32 $_scs_section_size  }
0xa0: {  	s8 =	simm.s32 $_size__tile_overlayer_lowered;
	s9 =	simm.s32 $_tile_overlayer_lowered  }
0xa1: {  	s21 =	simm.s32 $0x1BFF;
	s20 =	sshll.u32 s9, $0x1;
	s6 =	sadd.s32 s7, s18  }
0xa2: {  	s10 =	simm.s32 $0x0;
	s19 =	sshll.u32 s8, $0x1;
	s8 =	sadd.s32 s20, s6  }
0xa3: {  	[timem:s10], [sflag:s21] =	dma.local [hbm:s8], s19  }
0xa4: {  	_ =	swait.ge [sflag:s21], s19  }
0xa5: {  	s7 =	ssub.s32 $0x0, s19;
	[sflag:s21] =	ssyncset.done $0x0  }
0xa6: {  	[sflag:s21] =	ssyncadd.s32 s7;
	_ =	sdelay $0x1  }
0xa7: {  	s22 =	simm.s32 $0x1B8B  }
0xa8: {  	_ =	swait.ge [sflag:s22], $0x1  }
0xa9: {  	[sflag:s22] =	ssyncset.done $0x0  }
0xaa: {  	s23 =	simm.s32 $0x1B8E;
	[sflag:s22] =	ssyncadd.s32 $0xFFFFFFFF  }
0xab: {  	s24 =	simm.s32 $execute0_lowered;
	[smem:$0x3FD2] =	sst s23  }
0xac: {  	s7 =	sshll.u32 s24, $0x1;
	_ =	strace $0x80000046;
	[dreg:$0x1] =	wrdreg $0xFFFFFFFF  }
0xad: {  	s25 =	simm.s32 $_size_execute0_lowered;
	s6 =	sadd.s32 s6, s7;
	[dreg:$0x0] =	wrdreg $0x0  }
0xae: {  	s7 =	sshll.u32 s25, $0x1;
	[dreg:$0x2] =	wrdreg s6  }
0xaf: {  	[dreg:$0x3] =	wrdreg s7  }
0xb0: {  	[dreg:$0x4] =	wrdreg $0xC0  }
0xb1: {  	_ =	task [dreg:s10], $0x5FFFF  }
0xb2: {  	[dreg:$0x1] =	wrdreg $0xFFFFFFFF  }
0xb3: {  	[dreg:$0x0] =	wrdreg $0x60  }
0xb4: {  	[dreg:$0x2] =	wrdreg s0  }
0xb5: {  	[dreg:$0x3] =	wrdreg s2  }
0xb6: {  	[dreg:$0x4] =	wrdreg s3  }
0xb7: {  	[dreg:$0x5] =	wrdreg s4  }
0xb8: {  	[dreg:$0x6] =	wrdreg s16  }
0xb9: {  	[dreg:$0x7] =	wrdreg s15  }
0xba: {  	[dreg:$0x8] =	wrdreg $0x15800  }
0xbb: {  	[dreg:$0x9] =	wrdreg $0x9  }
0xbc: {  	_ =	task.clear_ibuf [dreg:s10], $0xAFFFF;
	_ =	strace $0x90000046  }
0xbd: {  	s26 =	simm.s32 $0x9;
	_ =	strace $0x80000048  }
0xbe: {  	_ =	swait.ge [sflag:s26], $0x1  }
0xbf: {  	[sflag:s26] =	ssyncadd.s32 $0xFFFFFFFF  }
0xc0: {  	_ =	strace $0x90000048  }
0xc1: {  	_ =	sfence  }
0xc2: {  	s28 =	sld [smem:$0x0];
	_ =	sdelay $0x1  }
0xc3: {  	s29 =	srdreg.scid  }
0xc4: {  	s30 =	sshll.u32 s29, $0xD;
	s31 =	sshrl.u32 s29, $0x2  }
0xc5: {  	s1 =	sand.u32 $0x1, s29;
	s2 =	sand.u32 $0x4000, s30;
	s0 =	sadd.s32 s31, s28  }
0xc6: {  	s1 =	sor.u32 s2, s1;
	s0 =	sshll.u32 s0, $0x11  }
0xc7: {  	s0 =	sor.u32 s0, s1  }
0xc8: {  	s0 =	sadd.s32 $0x8F2B, s0  }
0xc9: {  	[sflag:s0] =	ssyncadd.remote.s32 $0x1  }
0xca: {  	_ =	sfence.sel $0xFFFF  }
0xcb: {  	[dreg:$0x0] =	wrdreg $0xFFFFFFFF;
	(pc) =	sbr.abs _section_cstart, $3  }
0xcc: {  	[dreg:$0x1] =	wrdreg $0xFFFFFFFF  }
0xcd: {  	_ =	task.clear_ibuf [dreg:s10], $0x2FFFF;
	_ =	strace $0x9FFFFFFF  }
0xce: {  	(tm) =	ssettm $0x7FFFFFFF  }
0xcf: {  	_ =	shalt  }
tec
execute0_lowered:
.L_overlay_start_1:
0x0: {  	(tag) =	ssettag $0x1  }
0x1: {  	s6 =	rddreg [dreg:$0x0]  }
0x2: {  	s7 =	rddreg [dreg:$0x1]  }
0x3: {  	s8 =	rddreg [dreg:$0x2]  }
0x4: {  	s9 =	rddreg [dreg:$0x3]  }
0x5: {  	s4 =	rddreg [dreg:$0x4]  }
0x6: {  	s1 =	rddreg [dreg:$0x5]  }
0x7: {  	s2 =	rddreg [dreg:$0x6]  }
0x8: {  	s0 =	rddreg [dreg:$0x7];
	s10 =	simm.s32 $0x0;
	s3 =	stileid.u32  }
0x9: {  	[smem:$0x7FF] =	sst s10;
	s5 =	sshll.u32 s3, $0x7  }
0xa: {  	s12 =	simm.s32 $0x3;
	_ =	strace $0x80000047;
	s8 =	sadd.s32 s8, s5  }
0xb: {  	[tilespmem:s10], [sflag:$0x3] =	stream.linear.gather [hbm4b:s8+s10], $0x400, $0x38;
	[tilespmem:$0x1590] =	vst v63  }
0xc: {  	_ =	swait.ge [sflag:s12], $0x400  }
0xd: {  	[sflag:s12] =	ssyncset.done $0x0  }
0xe: {  	s13 =	simm.s32 $0x80;
	s11 =	simm.s32 $0x400;
	[sflag:s12] =	ssyncadd.s32 $0xFFFFFC00  }
0xf: {  	[tilespmem:s11], [sflag:$0x1] =	stream.indirect.gather [hbm4b:s9+s13], $0x1, s10, s13, $0xb8;
	[tilespmem:$0x1590] =	vst v63  }
0x10: {  	s14 =	simm.s32 $0x480  }
0x11: {  	[tilespmem:s14], [sflag:$0x1] =	stream.indirect.gather [hbm4b:s9+s13], $0x1, s13, s13, $0xb8;
	[tilespmem:$0x1590] =	vst v63  }
0x12: {  	s15 =	simm.s32 $0x100;
	s12 =	simm.s32 $0x500  }
0x13: {  	[tilespmem:s12], [sflag:$0x1] =	stream.indirect.gather [hbm4b:s9+s13], $0x1, s15, s13, $0xb8;
	[tilespmem:$0x1590] =	vst v63  }
0x14: {  	s16 =	simm.s32 $0x180;
	s17 =	simm.s32 $0x580  }
0x15: {  	[tilespmem:s17], [sflag:$0x1] =	stream.indirect.gather [hbm4b:s9+s13], $0x1, s16, s13, $0xb8;
	[tilespmem:$0x1590] =	vst v63  }
0x16: {  	s18 =	simm.s32 $0x200;
	s19 =	simm.s32 $0x600  }
0x17: {  	[tilespmem:s19], [sflag:$0x1] =	stream.indirect.gather [hbm4b:s9+s13], $0x1, s18, s13, $0xb8;
	[tilespmem:$0x1590] =	vst v63  }
0x18: {  	s20 =	simm.s32 $0x280;
	s21 =	simm.s32 $0x680  }
0x19: {  	[tilespmem:s21], [sflag:$0x1] =	stream.indirect.gather [hbm4b:s9+s13], $0x1, s20, s13, $0xb8;
	[tilespmem:$0x1590] =	vst v63  }
0x1a: {  	s22 =	simm.s32 $0x300;
	s23 =	simm.s32 $0x700  }
0x1b: {  	[tilespmem:s23], [sflag:$0x1] =	stream.indirect.gather [hbm4b:s9+s13], $0x1, s22, s13, $0xb8;
	[tilespmem:$0x1590] =	vst v63  }
0x1c: {  	s24 =	simm.s32 $0x380;
	s25 =	simm.s32 $0x780  }
0x1d: {  	[tilespmem:s25], [sflag:$0x1] =	stream.indirect.gather [hbm4b:s9+s13], $0x1, s24, s13, $0xb8;
	[tilespmem:$0x1590] =	vst v63  }
0x1e: {  	s26 =	simm.s32 $0x800;
	s6 =	sadd.s32 s6, s5  }
0x1f: {  	[tilespmem:s26], [sflag:$0x2] =	stream.linear.gather [hbm4b:s6+s10], $0x400, $0x38;
	[tilespmem:$0x1590] =	vst v63  }
0x20: {  	s29 =	simm.s32 $0xC00;
	s30 =	simm.s32 $0x2;
	s28 =	sadd.s32 s7, s5  }
0x21: {  	[tilespmem:s29], [sflag:$0x2] =	stream.linear.gather [hbm4b:s28+s10], $0x400, $0x38;
	[tilespmem:$0x1590] =	vst v63  }
0x22: {  	_ =	swait.ge [sflag:s30], $0x400  }
0x23: {  	[sflag:s30] =	ssyncset.done $0x0  }
0x24: {  	[sflag:s30] =	ssyncadd.s32 $0xFFFFFC00  }
0x25: {  	_ =	swait.ge [sflag:s30], $0x400  }
0x26: {  	[sflag:s30] =	ssyncset.done $0x0  }
0x27: {  	s31 =	simm.s32 $0x1;
	[sflag:s30] =	ssyncadd.s32 $0xFFFFFC00  }
0x28: {  	_ =	swait.ge [sflag:s31], $0x80  }
0x29: {  	[sflag:s31] =	ssyncset.done $0x0  }
0x2a: {  	[sflag:s31] =	ssyncadd.s32 $0xFFFFFF80  }
0x2b: {  	_ =	swait.ge [sflag:s31], $0x80  }
0x2c: {  	[sflag:s31] =	ssyncset.done $0x0  }
0x2d: {  	[sflag:s31] =	ssyncadd.s32 $0xFFFFFF80  }
0x2e: {  	_ =	swait.ge [sflag:s31], $0x80  }
0x2f: {  	[sflag:s31] =	ssyncset.done $0x0  }
0x30: {  	[sflag:s31] =	ssyncadd.s32 $0xFFFFFF80  }
0x31: {  	_ =	swait.ge [sflag:s31], $0x80  }
0x32: {  	[sflag:s31] =	ssyncset.done $0x0  }
0x33: {  	[sflag:s31] =	ssyncadd.s32 $0xFFFFFF80  }
0x34: {  	_ =	swait.ge [sflag:s31], $0x80  }
0x35: {  	[sflag:s31] =	ssyncset.done $0x0  }
0x36: {  	[sflag:s31] =	ssyncadd.s32 $0xFFFFFF80  }
0x37: {  	_ =	swait.ge [sflag:s31], $0x80  }
0x38: {  	[sflag:s31] =	ssyncset.done $0x0  }
0x39: {  	[sflag:s31] =	ssyncadd.s32 $0xFFFFFF80  }
0x3a: {  	_ =	swait.ge [sflag:s31], $0x80  }
0x3b: {  	[sflag:s31] =	ssyncset.done $0x0  }
0x3c: {  	[sflag:s31] =	ssyncadd.s32 $0xFFFFFF80  }
0x3d: {  	_ =	swait.ge [sflag:s31], $0x80  }
0x3e: {  	[sflag:s31] =	ssyncset.done $0x0  }
0x3f: {  	s9 =	simm.s32 $0x0;
	[sflag:s31] =	ssyncadd.s32 $0xFFFFFF80  }
0x40: {  	v0 =	vld [tilespmem:s9+$0x400];
	_ =	sdelay $0x1  }
0x41: {  	v1 =	vld [tilespmem:s9+$0x410];
	_ =	sdelay $0x2  }
0x42: {  	v0 =	vsub.f32 $0.0e+00, v0;
	_ =	sdelay $0x1  }
0x43: {  	v1 =	vsub.f32 $0.0e+00, v1;
	v0 =	vmul.f32 $1.442695020e+00, v0;
	_ =	sdelay $0x1  }
0x44: {  	v1 =	vmul.f32 $1.442695020e+00, v1;
	(erf) = vpow2.f32 v0;
	_ =	sdelay $0x1  }
0x45: {  	(erf) = vpow2.f32 v1  }
0x46: {  	s8 =	simm.s32 $0x20  }
0x47: {  	v0 =	vld [tilespmem:s8+$0x400];
	_ =	sdelay $0x1  }
0x48: {  	v1 =	vld [tilespmem:s8+$0x410];
	_ =	sdelay $0x2  }
0x49: {  	v0 =	vsub.f32 $0.0e+00, v0;
	v2 =	vpop (erf)  }
0x4a: {  	v2 =	vadd.f32 $1.000000000e+00, v2  }
0x4b: {  	v1 =	vsub.f32 $0.0e+00, v1;
	v0 =	vmul.f32 $1.442695020e+00, v0;
	v3 =	vpop (erf)  }
0x4c: {  	v3 =	vadd.f32 $1.000000000e+00, v3;
	(erf) = vrcp.f32 v2  }
0x4d: {  	v1 =	vmul.f32 $1.442695020e+00, v1;
	(erf) = vpow2.f32 v0  }
0x4e: {  	s6 =	simm.s32 $0x40;
	v2 =	vld [tilespmem:s9+$0xC10];
	(erf) = vrcp.f32 v3  }
0x4f: {  	v0 =	vld [tilespmem:s6+$0x410];
	(erf) = vpow2.f32 v1  }
0x50: {  	v3 =	vld [tilespmem:s9+$0xC00]  }
0x51: {  	v1 =	vld [tilespmem:s6+$0x400];
	_ =	sdelay $0x1  }
0x52: {  	v6 =	vld [tilespmem:s9+$0x800];
	v4 =	vmul.f32 $1.500000000e+00, v2  }
0x53: {  	v2 =	vmul.f32 $5.000000000e-01, v2  }
0x54: {  	v8 =	vld [tilespmem:s9+$0x810];
	v7 =	vsub.f32 $0.0e+00, v0;
	v5 =	vmul.f32 $1.500000000e+00, v3;
	v4 =	vsub.f32 $1.000000000e+00, v4;
	v9 =	vpop (erf)  }
0x55: {  	v0 =	vimm.f32 $0.0e+00;
	v1 =	vsub.f32 $0.0e+00, v1;
	v10 =	vpop (erf);
	v9 =	vadd.f32 v9, v9  }
0x56: {  	v11 =	vsub.f32 $1.000000000e+00, v5;
	v5 =	vmul.f32 $5.000000000e-01, v3;
	v10 =	vadd.f32 $1.000000000e+00, v10;
	v3 =	vpop (erf)  }
0x57: {  	v12 =	vmul.f32 $1.442695020e+00, v1;
	v13 =	vpop (erf);
	v14 =	vmul.f32 v9, v6;
	v15 =	vadd.f32 v3, v3  }
0x58: {  	s7 =	simm.s32 $0x60;
	v16 =	vmul.f32 $1.442695020e+00, v7;
	v1 =	vld [tilespmem:s8+$0xC10];
	v7 =	vadd.f32 $1.000000000e+00, v13;
	(erf) = vrcp.f32 v10  }
0x59: {  	v6 =	vld [tilespmem:s7+$0x410];
	(erf) = vpow2.f32 v12;
	v10 =	vmax.f32 v14, $0.0e+00;
	v8 =	vmul.f32 v15, v8  }
0x5a: {  	v3 =	vld [tilespmem:s8+$0xC00];
	v9 =	vadd.f32 $-1.000000000e+00, v9;
	(erf) = vrcp.f32 v7;
	v63 =	vmin.f32 v10, $1.000000000e+00  }
0x5b: {  	v7 =	vld [tilespmem:s7+$0x400];
	(erf) = vpow2.f32 v16;
	v10 =	vmul.f32 v63, v11;
	v8 =	vmax.f32 v8, $0.0e+00  }
0x5c: {  	s10 =	simm.s32 $0x200;
	v9 =	vand.u32 $0x7FFFFFFF, v9;
	[tilespmem:s9+$0x1000] =	vst v63;
	v11 =	vmin.f32 v8, $1.000000000e+00;
	v8 =	vadd.f32 $-1.000000000e+00, v15  }
.LBB2_1:
0x5d: {  	p0 =	sne.s32 s10, $0xF80;
	v5 =	vadd.f32 v10, v5;
	v9 =	vmul.f32 $1.000000010e-01, v9;
	[tilespmem:s9+$0x1010] =	vst v11;
	v4 =	vmul.f32 v11, v4;
	s9 =	smov.u32 s8;
	s8 =	smov.u32 s6  }
0x5e: {  	v10 =	vmul.f32 $1.500000000e+00, v1;
	s6 =	smov.u32 s7;
	v6 =	vsub.f32 $0.0e+00, v6;
	v8 =	vand.u32 $0x7FFFFFFF, v8  }
0x5f: {  	v11 =	vld [tilespmem:s9+$0x800];
	v13 =	vadd.f32 v5, v9;
	v2 =	vadd.f32 v4, v2;
	v8 =	vmul.f32 $1.000000010e-01, v8  }
0x60: {  	v9 =	vmul.f32 $1.500000000e+00, v3;
	v4 =	vsub.f32 $1.000000000e+00, v10;
	v7 =	vsub.f32 $0.0e+00, v7  }
0x61: {  	v10 =	vld [tilespmem:s9+$0x810];
	v12 =	vpop (erf);
	v0 =	vadd.f32 v13, v0;
	v8 =	vadd.f32 v2, v8  }
0x62: {  	v9 =	vsub.f32 $1.000000000e+00, v9;
	v2 =	vmul.f32 $5.000000000e-01, v1;
	v5 =	vpop (erf);
	v12 =	vadd.f32 v12, v12  }
0x63: {  	v13 =	vadd.f32 $1.000000000e+00, v5;
	v5 =	vmul.f32 $5.000000000e-01, v3;
	v1 =	vpop (erf);
	v0 =	vadd.f32 v8, v0  }
0x64: {  	v3 =	vmul.f32 $1.442695020e+00, v7;
	v7 =	vpop (erf);
	v8 =	vmul.f32 v12, v11;
	v14 =	vadd.f32 v1, v1  }
.Ltmp0:
0x65: {  	s7 =	sshra.s32 s10, $0x2;
	v11 =	vmul.f32 $1.442695020e+00, v6;
	v1 =	vld [tilespmem:s8+$0xC10];
	v7 =	vadd.f32 $1.000000000e+00, v7;
	(erf) = vrcp.f32 v13;
	(pc) =	sbr.rel @p0 .LBB2_1-.Ltmp0, $4  }
0x66: {  	v6 =	vld [tilespmem:s7+$0x410];
	(erf) = vpow2.f32 v3;
	v8 =	vmax.f32 v8, $0.0e+00;
	v13 =	vmul.f32 v14, v10  }
0x67: {  	v12 =	vadd.f32 $-1.000000000e+00, v12;
	v3 =	vld [tilespmem:s8+$0xC00];
	(erf) = vrcp.f32 v7;
	v8 =	vmin.f32 v8, $1.000000000e+00  }
0x68: {  	v7 =	vld [tilespmem:s7+$0x400];
	(erf) = vpow2.f32 v11;
	[tilespmem:s9+$0x1000] =	vst v8;
	v10 =	vmul.f32 v8, v9;
	v8 =	vmax.f32 v13, $0.0e+00  }
0x69: {  	s10 =	sadd.s32 $0x80, s10;
	v9 =	vand.u32 $0x7FFFFFFF, v12;
	v11 =	vmin.f32 v8, $1.000000000e+00;
	v8 =	vadd.f32 $-1.000000000e+00, v14  }
0x6a: {  	_ =	sdelay $0x3  }
0x6b: {  	v12 =	vpop (erf)  }
0x6c: {  	[tilespmem:s9+$0x1010] =	vst v11;
	v7 =	vsub.f32 $0.0e+00, v7;
	v13 =	vpop (erf)  }
0x6d: {  	v14 =	vld [tilespmem:s8+$0x800];
	v13 =	vadd.f32 $1.000000000e+00, v13;
	v15 =	vpop (erf)  }
0x6e: {  	v4 =	vmul.f32 v11, v4;
	v6 =	vsub.f32 $0.0e+00, v6;
	v63 =	vld [tilespmem:s8+$0x810];
	v7 =	vmul.f32 $1.442695020e+00, v7;
	v16 =	vpop (erf)  }
0x6f: {  	v9 =	vmul.f32 $1.000000010e-01, v9;
	(erf) = vrcp.f32 v13;
	v17 =	vadd.f32 $1.000000000e+00, v16  }
0x70: {  	v6 =	vmul.f32 $1.442695020e+00, v6;
	v18 =	vadd.f32 v12, v12;
	(erf) = vpow2.f32 v7  }
0x71: {  	v19 =	vmul.f32 $1.500000000e+00, v1;
	v20 =	vadd.f32 v15, v15;
	(erf) = vrcp.f32 v17  }
0x72: {  	v5 =	vadd.f32 v10, v5;
	v25 =	vld [tilespmem:s6+$0xC10];
	v21 =	vmul.f32 v18, v14;
	(erf) = vpow2.f32 v6  }
0x73: {  	v29 =	vmul.f32 $5.000000000e-01, v1;
	v27 =	vld [tilespmem:s6+$0xC00];
	v23 =	vmul.f32 v20, v63  }
0x74: {  	v22 =	vand.u32 $0x7FFFFFFF, v8;
	v5 =	vadd.f32 v5, v9;
	v26 =	vmax.f32 v21, $0.0e+00  }
0x75: {  	v24 =	vmul.f32 $1.500000000e+00, v3;
	v10 =	vmin.f32 v26, $1.000000000e+00;
	v8 =	vmax.f32 v23, $0.0e+00  }
0x76: {  	v2 =	vadd.f32 v4, v2;
	v32 =	vmul.f32 $5.000000000e-01, v3;
	[tilespmem:s8+$0x1000] =	vst v10;
	v28 =	vmin.f32 v8, $1.000000000e+00  }
0x77: {  	v0 =	vadd.f32 v5, v0;
	v4 =	vsub.f32 $1.000000000e+00, v24;
	v40 =	vmul.f32 $1.500000000e+00, v25;
	[tilespmem:s8+$0x1010] =	vst v28  }
0x78: {  	v41 =	vmul.f32 $1.500000000e+00, v27;
	v30 =	vadd.f32 $-1.000000000e+00, v18;
	v6 =	vmul.f32 $1.000000010e-01, v22;
	v33 =	vld [tilespmem:s6+$0x800];
	v31 =	vpop (erf)  }
0x79: {  	v7 =	vsub.f32 $1.000000000e+00, v19;
	v12 =	vadd.f32 $-1.000000000e+00, v20;
	v4 =	vmul.f32 v10, v4;
	v36 =	vld [tilespmem:s6+$0x810];
	v34 =	vpop (erf)  }
0x7a: {  	v35 =	vand.u32 $0x7FFFFFFF, v30;
	v2 =	vadd.f32 v2, v6;
	v11 =	vadd.f32 $1.000000000e+00, v34;
	v37 =	vpop (erf)  }
0x7b: {  	v3 =	vadd.f32 v4, v32;
	v5 =	vmul.f32 v28, v7;
	v38 =	vadd.f32 v31, v31;
	v39 =	vpop (erf)  }
0x7c: {  	v4 =	vadd.f32 v37, v37;
	(erf) = vrcp.f32 v11;
	v8 =	vadd.f32 $1.000000000e+00, v39  }
0x7d: {  	v43 =	vld [tilespmem:s7+$0xC10];
	v0 =	vadd.f32 v2, v0;
	v2 =	vmul.f32 $1.000000010e-01, v35;
	v10 =	vmul.f32 v38, v33  }
0x7e: {  	v12 =	vand.u32 $0x7FFFFFFF, v12;
	v44 =	vld [tilespmem:s7+$0xC00];
	v6 =	vmul.f32 v4, v36;
	(erf) = vrcp.f32 v8  }
0x7f: {  	v42 =	vmul.f32 $1.000000010e-01, v12;
	v1 =	vadd.f32 v5, v29;
	v10 =	vmax.f32 v10, $0.0e+00  }
0x80: {  	v2 =	vadd.f32 v3, v2;
	v10 =	vmin.f32 v10, $1.000000000e+00;
	v6 =	vmax.f32 v6, $0.0e+00  }
0x81: {  	v45 =	vmul.f32 $5.000000000e-01, v27;
	v3 =	vsub.f32 $1.000000000e+00, v41;
	[tilespmem:s6+$0x1000] =	vst v10;
	v6 =	vmin.f32 v6, $1.000000000e+00  }
0x82: {  	v46 =	vmul.f32 $5.000000000e-01, v25;
	v1 =	vadd.f32 v1, v42;
	v0 =	vadd.f32 v2, v0;
	[tilespmem:s6+$0x1010] =	vst v6  }
0x83: {  	v50 =	vmul.f32 $1.500000000e+00, v43;
	v54 =	vmul.f32 $1.500000000e+00, v44;
	v7 =	vadd.f32 $-1.000000000e+00, v38;
	v47 =	vld [tilespmem:s7+$0x800]  }
0x84: {  	v59 =	vmul.f32 $5.000000000e-01, v43;
	v11 =	vsub.f32 $1.000000000e+00, v40;
	v0 =	vadd.f32 v1, v0  }
0x85: {  	v60 =	vmul.f32 $5.000000000e-01, v44;
	v56 =	vsub.f32 $1.000000000e+00, v54;
	v4 =	vadd.f32 $-1.000000000e+00, v4;
	v51 =	vld [tilespmem:s7+$0x810];
	v52 =	vpop (erf)  }
0x86: {  	v7 =	vand.u32 $0x7FFFFFFF, v7;
	v3 =	vmul.f32 v10, v3;
	v53 =	vadd.f32 v52, v52  }
0x87: {  	v48 =	vmul.f32 $1.000000010e-01, v7;
	v4 =	vand.u32 $0x7FFFFFFF, v4;
	v49 =	vmul.f32 v6, v11;
	v55 =	vpop (erf)  }
0x88: {  	v2 =	vadd.f32 v3, v45;
	v9 =	vmul.f32 v53, v47;
	v10 =	vadd.f32 v55, v55  }
0x89: {  	v4 =	vmul.f32 $1.000000010e-01, v4;
	v6 =	vsub.f32 $1.000000000e+00, v50;
	v1 =	vadd.f32 v49, v46  }
0x8a: {  	v2 =	vadd.f32 v2, v48;
	v57 =	vmax.f32 v9, $0.0e+00;
	v58 =	vmul.f32 v10, v51  }
0x8b: {  	v1 =	vadd.f32 v1, v4;
	v3 =	vadd.f32 $-1.000000000e+00, v53;
	v4 =	vmin.f32 v57, $1.000000000e+00  }
0x8c: {  	v0 =	vadd.f32 v2, v0;
	v2 =	vmul.f32 v4, v56;
	v5 =	vmax.f32 v58, $0.0e+00  }
0x8d: {  	v3 =	vand.u32 $0x7FFFFFFF, v3;
	v61 =	vadd.f32 $-1.000000000e+00, v10;
	v5 =	vmin.f32 v5, $1.000000000e+00  }
0x8e: {  	v3 =	vmul.f32 $1.000000010e-01, v3;
	v2 =	vadd.f32 v2, v60;
	v6 =	vmul.f32 v5, v6  }
0x8f: {  	v0 =	vadd.f32 v1, v0;
	v62 =	vand.u32 $0x7FFFFFFF, v61  }
0x90: {  	v1 =	vmul.f32 $1.000000010e-01, v62;
	v2 =	vadd.f32 v2, v3;
	v63 =	vadd.f32 v6, v59;
	_ =	sdelay $0x1  }
0x91: {  	v0 =	vadd.f32 v2, v0;
	v1 =	vadd.f32 v63, v1;
	_ =	sdelay $0x1  }
0x92: {  	[tilespmem:s7+$0x1000] =	vst v4;
	v0 =	vadd.f32 v1, v0  }
0x93: {  	s30 =	sshll.u32 s3, $0x4;
	[tilespmem:s7+$0x1010] =	vst v5  }
0x94: {  	s6 =	sadd.s32 s30, s2;
	s7 =	simm.s32 $0x1400;
	[tilespmem:$0x1400] =	vst v0  }
0x95: {  	[spmem:s6] =	stream.linear.scatter [tilespmem:s7], [sflag:$0x3], $0x10, $0x38;
	[tilespmem:$0x1590] =	vst v63  }
0x96: {  	s6 =	simm.s32 $0x3  }
0x97: {  	_ =	swait.ge [sflag:s6], $0x10  }
0x98: {  	s5 =	sadd.s32 s4, s5;
	s4 =	simm.s32 $0x0;
	[sflag:s6] =	ssyncset.done $0x0  }
0x99: {  	s31 =	simm.s32 $0x1000;
	p0 =	sne.s32 s3, $0x0;
	[sflag:s6] =	ssyncadd.s32 $0xFFFFFFF0  }
0x9a: {  	[hbm4b:s5+s4] =	stream.linear.scatter [tilespmem:s31], [sflag:$0x2], $0x400, $0x38;
	[tilespmem:$0x1590] =	vst v63  }
0x9b: {  	s0 =	simm.s32 @p0 $0x2;
	[bflag:$0x0] =	sbarrier.arrive $0xFFFF  }
0x9c: {  	_ =	swait.ge @p0 [sflag:s0], $0x400  }
0x9d: {  	[sflag:s0] =	ssyncset.done @p0 $0x0  }
0x9e: {  	[sflag:s0] =	ssyncadd.s32 @p0 $0xFFFFFC00  }
0x9f: {  	_ =	sfence.sel @p0 $0x180000  }
0xa0: {  	[bflag:$0x0] =	sbarrier.arrive @p0 $0xFFFF  }
0xa1: {  	_ =	strace @p0 $0x90000047  }
0xa2: {  	[bflag:$0x2] =	sbarrier.arrive @p0 $0xFFFF  }
0xa3: {  	_ =	shalt @p0  }
.LBB2_3:
0xa4: {  	s3 =	simm.s32 $0x1480  }
0xa5: {  	[tilespmem:s3], [sflag:$0x3] =	stream.linear.gather [spmem:s2], $0x100, $0x38;
	[tilespmem:$0x1590] =	vst v63  }
0xa6: {  	_ =	swait.ge [sflag:s6], $0x100  }
0xa7: {  	[sflag:s6] =	ssyncset.done $0x0  }
0xa8: {  	[sflag:s6] =	ssyncadd.s32 $0xFFFFFF00  }
0xa9: {  	v0 =	vld [tilespmem:$0x1480]  }
0xaa: {  	v1 =	vld [tilespmem:$0x1490];
	_ =	sdelay $0x1  }
0xab: {  	v2 =	vld [tilespmem:$0x14A0];
	_ =	sdelay $0x1  }
0xac: {  	v3 =	vld [tilespmem:$0x14B0]  }
0xad: {  	v0 =	vadd.f32 v1, v0  }
0xae: {  	v51 =	vld [tilespmem:$0x14C0]  }
0xaf: {  	v0 =	vadd.f32 v2, v0  }
0xb0: {  	v52 =	vld [tilespmem:$0x14D0]  }
0xb1: {  	v0 =	vadd.f32 v3, v0  }
0xb2: {  	v53 =	vld [tilespmem:$0x14E0]  }
0xb3: {  	v0 =	vadd.f32 v51, v0  }
0xb4: {  	v54 =	vld [tilespmem:$0x14F0]  }
0xb5: {  	v0 =	vadd.f32 v52, v0  }
0xb6: {  	v55 =	vld [tilespmem:$0x1500]  }
0xb7: {  	v0 =	vadd.f32 v53, v0  }
0xb8: {  	v56 =	vld [tilespmem:$0x1510]  }
0xb9: {  	v0 =	vadd.f32 v54, v0  }
0xba: {  	v57 =	vld [tilespmem:$0x1520]  }
0xbb: {  	v0 =	vadd.f32 v55, v0  }
0xbc: {  	v58 =	vld [tilespmem:$0x1530]  }
0xbd: {  	v0 =	vadd.f32 v56, v0  }
0xbe: {  	v59 =	vld [tilespmem:$0x1540]  }
0xbf: {  	v0 =	vadd.f32 v57, v0  }
0xc0: {  	v60 =	vld [tilespmem:$0x1550]  }
0xc1: {  	v0 =	vadd.f32 v58, v0  }
0xc2: {  	v61 =	vld [tilespmem:$0x1560]  }
0xc3: {  	v0 =	vadd.f32 v59, v0  }
0xc4: {  	v62 =	vld [tilespmem:$0x1570]  }
0xc5: {  	v0 =	vadd.f32 v60, v0;
	_ =	sdelay $0x1  }
0xc6: {  	v0 =	vadd.f32 v61, v0;
	_ =	sdelay $0x1  }
0xc7: {  	v0 =	vadd.f32 v62, v0;
	_ =	sdelay $0x1  }
0xc8: {  	(v2sf) =	vpush v0, $0x0  }
0xc9: {  	(v2sf) =	vpush v0, $0x1;
	_ =	sdelay $0x1  }
0xca: {  	(v2sf) =	vpush v0, $0x2;
	_ =	sdelay $0x1  }
0xcb: {  	(v2sf) =	vpush v0, $0x3;
	_ =	sdelay $0x1  }
0xcc: {  	(v2sf) =	vpush v0, $0x4;
	_ =	sdelay $0x1  }
0xcd: {  	(v2sf) =	vpush v0, $0x5;
	_ =	sdelay $0x1  }
0xce: {  	(v2sf) =	vpush v0, $0x6;
	_ =	sdelay $0x1  }
0xcf: {  	(v2sf) =	vpush v0, $0x7;
	_ =	sdelay $0x1  }
0xd0: {  	s14 =	spop (v2sf);
	(v2sf) =	vpush v0, $0x8  }
0xd1: {  	s15 =	spop (v2sf)  }
0xd2: {  	(v2sf) =	vpush v0, $0x9;
	s2 =	sadd.f32 s15, s14  }
0xd3: {  	s16 =	spop (v2sf)  }
0xd4: {  	(v2sf) =	vpush v0, $0xA;
	s2 =	sadd.f32 s2, s16  }
0xd5: {  	s17 =	spop (v2sf)  }
0xd6: {  	(v2sf) =	vpush v0, $0xB;
	s2 =	sadd.f32 s2, s17  }
0xd7: {  	s18 =	spop (v2sf)  }
0xd8: {  	(v2sf) =	vpush v0, $0xC;
	s2 =	sadd.f32 s2, s18  }
0xd9: {  	s19 =	spop (v2sf)  }
0xda: {  	(v2sf) =	vpush v0, $0xD;
	s2 =	sadd.f32 s2, s19  }
0xdb: {  	s20 =	spop (v2sf)  }
0xdc: {  	(v2sf) =	vpush v0, $0xE;
	s2 =	sadd.f32 s2, s20  }
0xdd: {  	s21 =	spop (v2sf)  }
0xde: {  	(v2sf) =	vpush v0, $0xF;
	s2 =	sadd.f32 s2, s21  }
0xdf: {  	s22 =	spop (v2sf)  }
0xe0: {  	s2 =	sadd.f32 s2, s22  }
0xe1: {  	s23 =	spop (v2sf)  }
0xe2: {  	s2 =	sadd.f32 s2, s23  }
0xe3: {  	s24 =	spop (v2sf)  }
0xe4: {  	s2 =	sadd.f32 s2, s24  }
0xe5: {  	s25 =	spop (v2sf)  }
0xe6: {  	s2 =	sadd.f32 s2, s25  }
0xe7: {  	s26 =	spop (v2sf)  }
0xe8: {  	s2 =	sadd.f32 s2, s26  }
0xe9: {  	s28 =	spop (v2sf)  }
0xea: {  	s2 =	sadd.f32 s2, s28  }
0xeb: {  	s29 =	spop (v2sf)  }
0xec: {  	s2 =	sadd.f32 s2, s29  }
0xed: {  	s30 =	spop (v2sf)  }
0xee: {  	s2 =	sadd.f32 s2, s30;
	_ =	sdelay $0x1  }
0xef: {  	s2 =	smul.f32 $6.103515630e-05, s2;
	_ =	sdelay $0x1  }
0xf0: {  	v63 =	vmov s2  }
0xf1: {  	[tilespmem:$0x1400] =	vst v63  }
0xf2: {  	[hbm4b:s1+s4] =	stream.linear.scatter [tilespmem:s7], [sflag:$0x3], $0x80, $0x38;
	[tilespmem:$0x1590] =	vst v63  }
0xf3: {  	_ =	swait.ge [sflag:s6], $0x80  }
0xf4: {  	[sflag:s6] =	ssyncset.done $0x0  }
0xf5: {  	s31 =	simm.s32 $0x2;
	[sflag:s6] =	ssyncadd.s32 $0xFFFFFF80  }
0xf6: {  	_ =	swait.ge [sflag:s31], $0x400  }
0xf7: {  	[sflag:s31] =	ssyncset.done $0x0  }
0xf8: {  	[sflag:s31] =	ssyncadd.s32 $0xFFFFFC00  }
0xf9: {  	_ =	sfence.sel $0x180000  }
0xfa: {  	[bflag:$0x0] =	sbarrier.arrive $0xFFFF  }
0xfb: {  	_ =	strace $0x90000047  }
0xfc: {  	s0 =	sadd.s32 $0x100000, s0;
	[bflag:$0x2] =	sbarrier.arrive $0xFFFF  }
0xfd: {  	[sflag:s0] =	ssyncadd.tile.s32 $0x1;
	_ =	shalt  }
.Lfunc_end2:
_tile_overlayer_lowered:
.L_overlay_start_2:
0xfe: {  	(tag) =	ssettag $0x2  }
0xff: {  	s0 =	rddreg [dreg:$0x0];
	s2 =	stileid.u32  }
0x100: {  	s1 =	rddreg [dreg:$0x1];
	p0 =	sne.s32 s2, $0x0  }
0x101: {  	s3 =	rddreg [dreg:$0x2];
	[bflag:$0x3] =	sbarrier.arrive $0xFFFF;
	s2 =	simm.s32 @!p0 $0x1C03  }
0x102: {  	[timem:s3], [sflag:s2] =	dma.local @!p0 [hbm:s0], s1  }
0x103: {  	s0 =	simm.s32 @!p0 $0x3  }
0x104: {  	_ =	swait.ge @!p0 [sflag:s0], s1  }
0x105: {  	s1 =	ssub.s32 @!p0 $0x0, s1;
	[sflag:s0] =	ssyncset.done @!p0 $0x0  }
0x106: {  	[sflag:s0] =	ssyncadd.s32 @!p0 s1  }
0x107: {  	[bflag:$0x3] =	sbarrier.arrive $0xFFFF  }
0x108: {  	_ =	shalt  }

</sc_bundles>
